<compile_context>
chip_gen: v7x
topology: tpu7x:2x2x1
jax: 0.10.2.dev20260603
libtpu: 0.0.44.dev20260713+nightly
codegen_flags: <defaults>
</compile_context>

<pallas_src>
import functools

import jax
import jax.numpy as jnp
from jax import lax
from jax.experimental import pallas as pl
from jax.experimental.pallas import tpu as pltpu
from jax.experimental.pallas import tpu_sc as plsc

N = 16777216
S = 2097152
M = N - S

NC = 2
NS = 16
NW = NC * NS
L = 16

C = 16384
UNROLL = 8

TC_BLK = 1048576


def _compute_chunk(xb, yb, ob, b):

    @plsc.parallel_loop(0, C, step=L, unroll=UNROLL)
    def body(off):
        yv = yb[b, pl.ds(off, L)]
        xv = xb[b, pl.ds(off, L)]
        nz = yv != 0.0
        inv = jnp.where(nz, 1.0 / jnp.where(nz, yv, 1.0), 0.0)
        ob[b, pl.ds(off, L)] = inv * xv


def _sc_body(x_hbm, y_hbm, o_hbm, xb, yb, ob, insem0, insem1, outsem0,
             outsem1):
    wid = lax.axis_index("s") * NC + lax.axis_index("c")
    per_w = S // NW
    T = per_w // C
    G = T // 2
    base_in = M + wid * per_w
    base_out = wid * per_w

    def start_in(t, b, sem):
        pltpu.async_copy(x_hbm.at[pl.ds(base_in + t * C, C)], xb.at[b], sem)
        pltpu.async_copy(y_hbm.at[pl.ds(base_in + t * C, C)], yb.at[b], sem)

    def wait_in(b, sem):
        pltpu.make_async_copy(x_hbm.at[pl.ds(0, C)], xb.at[b], sem).wait()
        pltpu.make_async_copy(y_hbm.at[pl.ds(0, C)], yb.at[b], sem).wait()

    def start_out(t, b, sem):
        pltpu.async_copy(ob.at[b], o_hbm.at[pl.ds(base_out + t * C, C)], sem)

    def wait_out(b, sem):
        pltpu.make_async_copy(ob.at[b], o_hbm.at[pl.ds(0, C)], sem).wait()

    start_in(0, 0, insem0)

    def ring(g, _):
        t0 = 2 * g
        start_in(t0 + 1, 1, insem1)
        wait_in(0, insem0)

        @pl.when(g >= 1)
        def _():
            wait_out(0, outsem0)

        _compute_chunk(xb, yb, ob, 0)
        start_out(t0, 0, outsem0)

        @pl.when(g < G - 1)
        def _():
            start_in(t0 + 2, 0, insem0)

        wait_in(1, insem1)

        @pl.when(g >= 1)
        def _():
            wait_out(1, outsem1)

        _compute_chunk(xb, yb, ob, 1)
        start_out(t0 + 1, 1, outsem1)
        return 0

    lax.fori_loop(0, G, ring, 0)
    wait_out(0, outsem0)
    wait_out(1, outsem1)


@functools.partial(
    pl.kernel,
    mesh=plsc.VectorSubcoreMesh(core_axis_name="c", subcore_axis_name="s"),
    out_type=jax.ShapeDtypeStruct((S,), jnp.float32),
    scratch_types=[
        pltpu.VMEM((2, C), jnp.float32),
        pltpu.VMEM((2, C), jnp.float32),
        pltpu.VMEM((2, C), jnp.float32),
        pltpu.SemaphoreType.DMA,
        pltpu.SemaphoreType.DMA,
        pltpu.SemaphoreType.DMA,
        pltpu.SemaphoreType.DMA,
    ],
)
def _sc_tail(x_hbm, y_hbm, o_hbm, xb, yb, ob, insem0, insem1, outsem0,
             outsem1):
    _sc_body(x_hbm, y_hbm, o_hbm, xb, yb, ob, insem0, insem1, outsem0,
             outsem1)


def _tc_body(x_ref, y_ref, o_ref):
    yv = y_ref[...]
    xv = x_ref[...]
    nz = yv != 0.0
    inv = jnp.where(nz, 1.0 / jnp.where(nz, yv, 1.0), 0.0)
    o_ref[...] = inv * xv


def kernel(x, y):
    xh = lax.slice(x, (0,), (M,))
    yh = lax.slice(y, (0,), (M,))
    nz = yh != 0
    tc_out = jnp.where(nz, 1.0 / jnp.where(nz, yh, 1.0), 0.0) * xh
    sc_out = _sc_tail(x, y)
    return lax.concatenate([tc_out, sc_out], 0)

# --- scband reference (transcript-rebuilt; emitter-appended) ---
"""Pipeline reference for scband-stable-zero-div-16561393894029 (READ-ONLY COPY).

The authoritative reference and input builder live on the scoring server;
editing this copy changes nothing except your own understanding.
"""

import jax, jax.numpy as jnp
import numpy as np


def setup_inputs(seed: int = 0) -> dict:
    key = jax.random.key(seed)
    k1, k2 = jax.random.split(key)
    N = 16777216
    x = jax.random.normal(k1, (N,), dtype=jnp.float32)
    y = jax.random.normal(k2, (N,), dtype=jnp.float32)
    return {"x": x, "y": y}


def reference(x, y):
    # Faithful translation of StableZeroDiv.forward:
    #   out = zeros_like(y)
    #   out[nonzero(y)] = 1.0 / y[nonzero(y)]
    #   out *= x
    # i.e. out = x * (1/y where y != 0 else 0)
    nz = y != 0
    safe_y = jnp.where(nz, y, jnp.ones_like(y))
    inv = jnp.where(nz, 1.0 / safe_y, jnp.zeros_like(y))
    out = inv * x
    return out

if __name__ == "__main__":
    import jax
    _d = setup_inputs()
    print(jax.jit(kernel)(*tuple(_d.values())))

</pallas_src>

<mosaic_0001>
#map = affine_map<(d0, d1) -> (0)>
module attributes {stable_mosaic.version = 14 : i64} {
  func.func @_sc_tail(%arg0: i32, %arg1: i32, %arg2: memref<16777216xf32, #tpu.memory_space<hbm>>, %arg3: memref<16777216xf32, #tpu.memory_space<hbm>>, %arg4: memref<2097152xf32, #tpu.memory_space<hbm>>, %arg5: memref<2x16384xf32, #tpu.memory_space<vmem>>, %arg6: memref<2x16384xf32, #tpu.memory_space<vmem>>, %arg7: memref<2x16384xf32, #tpu.memory_space<vmem>>, %arg8: memref<!tpu.dma_semaphore, #tpu.memory_space<semaphore_mem>>, %arg9: memref<!tpu.dma_semaphore, #tpu.memory_space<semaphore_mem>>, %arg10: memref<!tpu.dma_semaphore, #tpu.memory_space<semaphore_mem>>, %arg11: memref<!tpu.dma_semaphore, #tpu.memory_space<semaphore_mem>>) attributes {dimension_semantics = [#tpu.dimension_semantics<core_parallel>, #tpu.dimension_semantics<subcore_parallel>], iteration_bounds = array<i64: 2, 16>, scalar_prefetch = 0 : i64, scratch_operands = 7 : i64, tpu.core_type = #tpu.core_type<sc_vector_subcore>, window_params = [{transform_indices = #map}, {transform_indices = #map}, {transform_indices = #map}]} {
    %mul3A = arith.constant 2 : i32
    %mul3A_0 = arith.muli %arg1, %mul3A : i32
    %add3A = arith.addi %mul3A_0, %arg0 : i32
    %mul3A_1 = arith.constant 65536 : i32
    %mul3A_2 = arith.muli %add3A, %mul3A_1 : i32
    %add3A_3 = arith.constant 14680064 : i32
    %add3A_4 = arith.addi %add3A_3, %mul3A_2 : i32
    %mul3A_5 = arith.constant 65536 : i32
    %mul3A_6 = arith.muli %add3A, %mul3A_5 : i32
    %add3A_7 = arith.constant 0 : i32
    %add3A_8 = arith.addi %add3A_4, %add3A_7 : i32
    %dma_start3A = arith.constant 0 : i32
    %dma_start3A_9 = arith.constant 0 : i32
    %dma_start3A_10 = tpu.memref_slice %arg5[%dma_start3A, %dma_start3A_9] : memref<2x16384xf32, #tpu.memory_space<vmem>> -> memref<1x16384xf32, #tpu.memory_space<vmem>>
    %dma_start3A_11 = tpu.memref_squeeze %dma_start3A_10 : memref<1x16384xf32, #tpu.memory_space<vmem>> -> memref<16384xf32, #tpu.memory_space<vmem>>
    %dma_start3A_12 = tpu.memref_slice %arg2[%add3A_8] : memref<16777216xf32, #tpu.memory_space<hbm>> -> memref<16384xf32, #tpu.memory_space<hbm>>
    %dma_start3A_13 = arith.constant 0 : i32
    %dma_start3A_14 = tpu.memref_slice %arg5[%dma_start3A, %dma_start3A_13] : memref<2x16384xf32, #tpu.memory_space<vmem>> -> memref<1x16384xf32, #tpu.memory_space<vmem>>
    %dma_start3A_15 = tpu.memref_squeeze %dma_start3A_14 : memref<1x16384xf32, #tpu.memory_space<vmem>> -> memref<16384xf32, #tpu.memory_space<vmem>>
    %dma_start3A_16 = tpu.memref_slice %arg2[%add3A_8] : memref<16777216xf32, #tpu.memory_space<hbm>> -> memref<16384xf32, #tpu.memory_space<hbm>>
    tpu.enqueue_dma source(%dma_start3A_16 : memref<16384xf32, #tpu.memory_space<hbm>>) target(%dma_start3A_15 : memref<16384xf32, #tpu.memory_space<vmem>>) target_semaphore(%arg8 : memref<!tpu.dma_semaphore, #tpu.memory_space<semaphore_mem>>)
    %add3A_17 = arith.constant 0 : i32
    %add3A_18 = arith.addi %add3A_4, %add3A_17 : i32
    %dma_start3A_19 = arith.constant 0 : i32
    %dma_start3A_20 = arith.constant 0 : i32
    %dma_start3A_21 = tpu.memref_slice %arg6[%dma_start3A_19, %dma_start3A_20] : memref<2x16384xf32, #tpu.memory_space<vmem>> -> memref<1x16384xf32, #tpu.memory_space<vmem>>
    %dma_start3A_22 = tpu.memref_squeeze %dma_start3A_21 : memref<1x16384xf32, #tpu.memory_space<vmem>> -> memref<16384xf32, #tpu.memory_space<vmem>>
    %dma_start3A_23 = tpu.memref_slice %arg3[%add3A_18] : memref<16777216xf32, #tpu.memory_space<hbm>> -> memref<16384xf32, #tpu.memory_space<hbm>>
    %dma_start3A_24 = arith.constant 0 : i32
    %dma_start3A_25 = tpu.memref_slice %arg6[%dma_start3A_19, %dma_start3A_24] : memref<2x16384xf32, #tpu.memory_space<vmem>> -> memref<1x16384xf32, #tpu.memory_space<vmem>>
    %dma_start3A_26 = tpu.memref_squeeze %dma_start3A_25 : memref<1x16384xf32, #tpu.memory_space<vmem>> -> memref<16384xf32, #tpu.memory_space<vmem>>
    %dma_start3A_27 = tpu.memref_slice %arg3[%add3A_18] : memref<16777216xf32, #tpu.memory_space<hbm>> -> memref<16384xf32, #tpu.memory_space<hbm>>
    tpu.enqueue_dma source(%dma_start3A_27 : memref<16384xf32, #tpu.memory_space<hbm>>) target(%dma_start3A_26 : memref<16384xf32, #tpu.memory_space<vmem>>) target_semaphore(%arg8 : memref<!tpu.dma_semaphore, #tpu.memory_space<semaphore_mem>>)
    %scan3A = arith.constant 0 : i32
    %scan3A_28 = arith.constant 0 : i32
    %scan3A_29 = arith.constant 2 : i32
    %scan3A_30 = arith.addi %scan3A_28, %scan3A_29 : i32
    %scan3A_31 = arith.constant 1 : i32
    %scan3A_32 = scf.for %scan3A_55 = %scan3A_28 to %scan3A_30 step %scan3A_31 iter_args(%scan3A_56 = %scan3A) -> (i32)  : i32 {
      %mul3A_57 = arith.constant 2 : i32
      %mul3A_58 = arith.muli %mul3A_57, %scan3A_55 : i32
      %add3A_59 = arith.constant 1 : i32
      %add3A_60 = arith.addi %mul3A_58, %add3A_59 : i32
      %mul3A_61 = arith.constant 16384 : i32
      %mul3A_62 = arith.muli %add3A_60, %mul3A_61 : i32
      %add3A_63 = arith.addi %add3A_4, %mul3A_62 : i32
      %dma_start3A_64 = arith.constant 1 : i32
      %dma_start3A_65 = arith.constant 0 : i32
      %dma_start3A_66 = tpu.memref_slice %arg5[%dma_start3A_64, %dma_start3A_65] : memref<2x16384xf32, #tpu.memory_space<vmem>> -> memref<1x16384xf32, #tpu.memory_space<vmem>>
      %dma_start3A_67 = tpu.memref_squeeze %dma_start3A_66 : memref<1x16384xf32, #tpu.memory_space<vmem>> -> memref<16384xf32, #tpu.memory_space<vmem>>
      %dma_start3A_68 = tpu.memref_slice %arg2[%add3A_63] : memref<16777216xf32, #tpu.memory_space<hbm>> -> memref<16384xf32, #tpu.memory_space<hbm>>
      %dma_start3A_69 = arith.constant 0 : i32
      %dma_start3A_70 = tpu.memref_slice %arg5[%dma_start3A_64, %dma_start3A_69] : memref<2x16384xf32, #tpu.memory_space<vmem>> -> memref<1x16384xf32, #tpu.memory_space<vmem>>
      %dma_start3A_71 = tpu.memref_squeeze %dma_start3A_70 : memref<1x16384xf32, #tpu.memory_space<vmem>> -> memref<16384xf32, #tpu.memory_space<vmem>>
      %dma_start3A_72 = tpu.memref_slice %arg2[%add3A_63] : memref<16777216xf32, #tpu.memory_space<hbm>> -> memref<16384xf32, #tpu.memory_space<hbm>>
      tpu.enqueue_dma source(%dma_start3A_72 : memref<16384xf32, #tpu.memory_space<hbm>>) target(%dma_start3A_71 : memref<16384xf32, #tpu.memory_space<vmem>>) target_semaphore(%arg9 : memref<!tpu.dma_semaphore, #tpu.memory_space<semaphore_mem>>)
      %mul3A_73 = arith.constant 16384 : i32
      %mul3A_74 = arith.muli %add3A_60, %mul3A_73 : i32
      %add3A_75 = arith.addi %add3A_4, %mul3A_74 : i32
      %dma_start3A_76 = arith.constant 1 : i32
      %dma_start3A_77 = arith.constant 0 : i32
      %dma_start3A_78 = tpu.memref_slice %arg6[%dma_start3A_76, %dma_start3A_77] : memref<2x16384xf32, #tpu.memory_space<vmem>> -> memref<1x16384xf32, #tpu.memory_space<vmem>>
      %dma_start3A_79 = tpu.memref_squeeze %dma_start3A_78 : memref<1x16384xf32, #tpu.memory_space<vmem>> -> memref<16384xf32, #tpu.memory_space<vmem>>
      %dma_start3A_80 = tpu.memref_slice %arg3[%add3A_75] : memref<16777216xf32, #tpu.memory_space<hbm>> -> memref<16384xf32, #tpu.memory_space<hbm>>
      %dma_start3A_81 = arith.constant 0 : i32
      %dma_start3A_82 = tpu.memref_slice %arg6[%dma_start3A_76, %dma_start3A_81] : memref<2x16384xf32, #tpu.memory_space<vmem>> -> memref<1x16384xf32, #tpu.memory_space<vmem>>
      %dma_start3A_83 = tpu.memref_squeeze %dma_start3A_82 : memref<1x16384xf32, #tpu.memory_space<vmem>> -> memref<16384xf32, #tpu.memory_space<vmem>>
      %dma_start3A_84 = tpu.memref_slice %arg3[%add3A_75] : memref<16777216xf32, #tpu.memory_space<hbm>> -> memref<16384xf32, #tpu.memory_space<hbm>>
      tpu.enqueue_dma source(%dma_start3A_84 : memref<16384xf32, #tpu.memory_space<hbm>>) target(%dma_start3A_83 : memref<16384xf32, #tpu.memory_space<vmem>>) target_semaphore(%arg9 : memref<!tpu.dma_semaphore, #tpu.memory_space<semaphore_mem>>)
      %dma_wait3A_85 = arith.constant 0 : i32
      %dma_wait3A_86 = arith.constant 0 : i32
      %dma_wait3A_87 = tpu.memref_slice %arg5[%dma_wait3A_85, %dma_wait3A_86] : memref<2x16384xf32, #tpu.memory_space<vmem>> -> memref<1x16384xf32, #tpu.memory_space<vmem>>
      %dma_wait3A_88 = tpu.memref_squeeze %dma_wait3A_87 : memref<1x16384xf32, #tpu.memory_space<vmem>> -> memref<16384xf32, #tpu.memory_space<vmem>>
      %dma_wait3A_89 = arith.constant 0 : i32
      %dma_wait3A_90 = tpu.memref_slice %arg2[%dma_wait3A_89] : memref<16777216xf32, #tpu.memory_space<hbm>> -> memref<16384xf32, #tpu.memory_space<hbm>>
      %dma_wait3A_91 = arith.constant 0 : i32
      %dma_wait3A_92 = tpu.memref_slice %arg5[%dma_wait3A_85, %dma_wait3A_91] : memref<2x16384xf32, #tpu.memory_space<vmem>> -> memref<1x16384xf32, #tpu.memory_space<vmem>>
      %dma_wait3A_93 = tpu.memref_squeeze %dma_wait3A_92 : memref<1x16384xf32, #tpu.memory_space<vmem>> -> memref<16384xf32, #tpu.memory_space<vmem>>
      %dma_wait3A_94 = arith.constant 0 : i32
      %dma_wait3A_95 = tpu.memref_slice %arg2[%dma_wait3A_94] : memref<16777216xf32, #tpu.memory_space<hbm>> -> memref<16384xf32, #tpu.memory_space<hbm>>
      tpu.wait_dma2 semaphore(%arg8 : memref<!tpu.dma_semaphore, #tpu.memory_space<semaphore_mem>>) src(%dma_wait3A_95 : memref<16384xf32, #tpu.memory_space<hbm>>) dst(%dma_wait3A_93 : memref<16384xf32, #tpu.memory_space<vmem>>)
      %dma_wait3A_96 = arith.constant 0 : i32
      %dma_wait3A_97 = arith.constant 0 : i32
      %dma_wait3A_98 = tpu.memref_slice %arg6[%dma_wait3A_96, %dma_wait3A_97] : memref<2x16384xf32, #tpu.memory_space<vmem>> -> memref<1x16384xf32, #tpu.memory_space<vmem>>
      %dma_wait3A_99 = tpu.memref_squeeze %dma_wait3A_98 : memref<1x16384xf32, #tpu.memory_space<vmem>> -> memref<16384xf32, #tpu.memory_space<vmem>>
      %dma_wait3A_100 = arith.constant 0 : i32
      %dma_wait3A_101 = tpu.memref_slice %arg3[%dma_wait3A_100] : memref<16777216xf32, #tpu.memory_space<hbm>> -> memref<16384xf32, #tpu.memory_space<hbm>>
      %dma_wait3A_102 = arith.constant 0 : i32
      %dma_wait3A_103 = tpu.memref_slice %arg6[%dma_wait3A_96, %dma_wait3A_102] : memref<2x16384xf32, #tpu.memory_space<vmem>> -> memref<1x16384xf32, #tpu.memory_space<vmem>>
      %dma_wait3A_104 = tpu.memref_squeeze %dma_wait3A_103 : memref<1x16384xf32, #tpu.memory_space<vmem>> -> memref<16384xf32, #tpu.memory_space<vmem>>
      %dma_wait3A_105 = arith.constant 0 : i32
      %dma_wait3A_106 = tpu.memref_slice %arg3[%dma_wait3A_105] : memref<16777216xf32, #tpu.memory_space<hbm>> -> memref<16384xf32, #tpu.memory_space<hbm>>
      tpu.wait_dma2 semaphore(%arg8 : memref<!tpu.dma_semaphore, #tpu.memory_space<semaphore_mem>>) src(%dma_wait3A_106 : memref<16384xf32, #tpu.memory_space<hbm>>) dst(%dma_wait3A_104 : memref<16384xf32, #tpu.memory_space<vmem>>)
      %ge3A = arith.constant 1 : i32
      %ge3A_107 = arith.cmpi sge, %scan3A_55, %ge3A : i32
      %convert_element_type3A = arith.extui %ge3A_107 : i1 to i32
      %cond3A = arith.constant 0 : i32
      %cond3A_108 = arith.cmpi ne, %convert_element_type3A, %cond3A : i32
      scf.if %cond3A_108 {
        %dma_wait3A_172 = arith.constant 0 : i32
        %dma_wait3A_173 = arith.constant 0 : i32
        %dma_wait3A_174 = tpu.memref_slice %arg7[%dma_wait3A_172, %dma_wait3A_173] : memref<2x16384xf32, #tpu.memory_space<vmem>> -> memref<1x16384xf32, #tpu.memory_space<vmem>>
        %dma_wait3A_175 = tpu.memref_squeeze %dma_wait3A_174 : memref<1x16384xf32, #tpu.memory_space<vmem>> -> memref<16384xf32, #tpu.memory_space<vmem>>
        %dma_wait3A_176 = arith.constant 0 : i32
        %dma_wait3A_177 = tpu.memref_slice %arg4[%dma_wait3A_176] : memref<2097152xf32, #tpu.memory_space<hbm>> -> memref<16384xf32, #tpu.memory_space<hbm>>
        %dma_wait3A_178 = arith.constant 0 : i32
        %dma_wait3A_179 = tpu.memref_slice %arg4[%dma_wait3A_178] : memref<2097152xf32, #tpu.memory_space<hbm>> -> memref<16384xf32, #tpu.memory_space<hbm>>
        %dma_wait3A_180 = arith.constant 0 : i32
        %dma_wait3A_181 = tpu.memref_slice %arg7[%dma_wait3A_172, %dma_wait3A_180] : memref<2x16384xf32, #tpu.memory_space<vmem>> -> memref<1x16384xf32, #tpu.memory_space<vmem>>
        %dma_wait3A_182 = tpu.memref_squeeze %dma_wait3A_181 : memref<1x16384xf32, #tpu.memory_space<vmem>> -> memref<16384xf32, #tpu.memory_space<vmem>>
        tpu.wait_dma2 semaphore(%arg10 : memref<!tpu.dma_semaphore, #tpu.memory_space<semaphore_mem>>) src(%dma_wait3A_182 : memref<16384xf32, #tpu.memory_space<vmem>>) dst(%dma_wait3A_179 : memref<16384xf32, #tpu.memory_space<hbm>>)
      } else {
      }
      %parallel_loop3A = arith.constant 0 : i32
      %parallel_loop3A_109 = arith.constant 16384 : i32
      %parallel_loop3A_110 = arith.constant 16 : i32
      scf.for %parallel_loop3A_172 = %parallel_loop3A to %parallel_loop3A_109 step %parallel_loop3A_110  : i32 {
        %parallel_loop3A_173 = arith.constant 0 : i32
        %parallel_loop3A_174 = arith.index_cast %parallel_loop3A_173 : i32 to index
        %parallel_loop3A_175 = arith.index_cast %parallel_loop3A_172 : i32 to index
        %parallel_loop3A_176 = tpu.vector_load %arg6[%parallel_loop3A_174, %parallel_loop3A_175] {strides = array<i32>} : memref<2x16384xf32, #tpu.memory_space<vmem>>, vector<1x16xf32>,
        %parallel_loop3A_177 = vector.shape_cast %parallel_loop3A_176 : vector<1x16xf32> to vector<16xf32>
        %parallel_loop3A_178 = arith.constant 0 : i32
        %parallel_loop3A_179 = arith.index_cast %parallel_loop3A_178 : i32 to index
        %parallel_loop3A_180 = arith.index_cast %parallel_loop3A_172 : i32 to index
        %parallel_loop3A_181 = tpu.vector_load %arg5[%parallel_loop3A_179, %parallel_loop3A_180] {strides = array<i32>} : memref<2x16384xf32, #tpu.memory_space<vmem>>, vector<1x16xf32>,
        %parallel_loop3A_182 = vector.shape_cast %parallel_loop3A_181 : vector<1x16xf32> to vector<16xf32>
        %parallel_loop3A_183 = arith.constant 0.000000e+00 : f32
        %parallel_loop3A_184 = vector.broadcast %parallel_loop3A_183 : f32 to vector<16xf32>
        %parallel_loop3A_185 = arith.cmpf one, %parallel_loop3A_177, %parallel_loop3A_184 : vector<16xf32>
        %parallel_loop3A_186 = arith.constant 1.000000e+00 : f32
        %parallel_loop3A_187 = vector.broadcast %parallel_loop3A_186 : f32 to vector<16xf32>
        %parallel_loop3A_188 = arith.select %parallel_loop3A_185, %parallel_loop3A_177, %parallel_loop3A_187 : vector<16xi1>, vector<16xf32>
        %parallel_loop3A_189 = arith.constant 1.000000e+00 : f32
        %parallel_loop3A_190 = vector.broadcast %parallel_loop3A_189 : f32 to vector<16xf32>
        %parallel_loop3A_191 = arith.divf %parallel_loop3A_190, %parallel_loop3A_188 : vector<16xf32>
        %parallel_loop3A_192 = arith.constant 0.000000e+00 : f32
        %parallel_loop3A_193 = vector.broadcast %parallel_loop3A_192 : f32 to vector<16xf32>
        %parallel_loop3A_194 = arith.select %parallel_loop3A_185, %parallel_loop3A_191, %parallel_loop3A_193 : vector<16xi1>, vector<16xf32>
        %parallel_loop3A_195 = arith.mulf %parallel_loop3A_194, %parallel_loop3A_182 : vector<16xf32>
        %parallel_loop3A_196 = arith.constant 0 : i32
        %parallel_loop3A_197 = arith.index_cast %parallel_loop3A_196 : i32 to index
        %parallel_loop3A_198 = arith.index_cast %parallel_loop3A_172 : i32 to index
        %parallel_loop3A_199 = tpu.vector_load %arg7[%parallel_loop3A_197, %parallel_loop3A_198] {strides = array<i32>} : memref<2x16384xf32, #tpu.memory_space<vmem>>, vector<1x16xf32>,
        %parallel_loop3A_200 = vector.shape_cast %parallel_loop3A_199 : vector<1x16xf32> to vector<16xf32>
        %parallel_loop3A_201 = vector.shape_cast %parallel_loop3A_195 : vector<16xf32> to vector<1x16xf32>
        tpu.vector_store %arg7[%parallel_loop3A_197, %parallel_loop3A_198], %parallel_loop3A_201 {strides = array<i32>} : memref<2x16384xf32, #tpu.memory_space<vmem>>, vector<1x16xf32>,
      } {sc.loop_unroll_factor = 8 : i64, sc.parallel_access}
      %mul3A_111 = arith.constant 16384 : i32
      %mul3A_112 = arith.muli %mul3A_58, %mul3A_111 : i32
      %add3A_113 = arith.addi %mul3A_6, %mul3A_112 : i32
      %dma_start3A_114 = arith.constant 0 : i32
      %dma_start3A_115 = arith.constant 0 : i32
      %dma_start3A_116 = tpu.memref_slice %arg7[%dma_start3A_114, %dma_start3A_115] : memref<2x16384xf32, #tpu.memory_space<vmem>> -> memref<1x16384xf32, #tpu.memory_space<vmem>>
      %dma_start3A_117 = tpu.memref_squeeze %dma_start3A_116 : memref<1x16384xf32, #tpu.memory_space<vmem>> -> memref<16384xf32, #tpu.memory_space<vmem>>
      %dma_start3A_118 = tpu.memref_slice %arg4[%add3A_113] : memref<2097152xf32, #tpu.memory_space<hbm>> -> memref<16384xf32, #tpu.memory_space<hbm>>
      %dma_start3A_119 = tpu.memref_slice %arg4[%add3A_113] : memref<2097152xf32, #tpu.memory_space<hbm>> -> memref<16384xf32, #tpu.memory_space<hbm>>
      %dma_start3A_120 = arith.constant 0 : i32
      %dma_start3A_121 = tpu.memref_slice %arg7[%dma_start3A_114, %dma_start3A_120] : memref<2x16384xf32, #tpu.memory_space<vmem>> -> memref<1x16384xf32, #tpu.memory_space<vmem>>
      %dma_start3A_122 = tpu.memref_squeeze %dma_start3A_121 : memref<1x16384xf32, #tpu.memory_space<vmem>> -> memref<16384xf32, #tpu.memory_space<vmem>>
      tpu.enqueue_dma source(%dma_start3A_122 : memref<16384xf32, #tpu.memory_space<vmem>>) target(%dma_start3A_119 : memref<16384xf32, #tpu.memory_space<hbm>>) target_semaphore(%arg10 : memref<!tpu.dma_semaphore, #tpu.memory_space<semaphore_mem>>)
      %lt3A = arith.constant 1 : i32
      %lt3A_123 = arith.cmpi slt, %scan3A_55, %lt3A : i32
      %convert_element_type3A_124 = arith.extui %lt3A_123 : i1 to i32
      %cond3A_125 = arith.constant 0 : i32
      %cond3A_126 = arith.cmpi ne, %convert_element_type3A_124, %cond3A_125 : i32
      scf.if %cond3A_126 {
        %add3A_172 = arith.constant 2 : i32
        %add3A_173 = arith.addi %mul3A_58, %add3A_172 : i32
        %mul3A_174 = arith.constant 16384 : i32
        %mul3A_175 = arith.muli %add3A_173, %mul3A_174 : i32
        %add3A_176 = arith.addi %add3A_4, %mul3A_175 : i32
        %dma_start3A_177 = arith.constant 0 : i32
        %dma_start3A_178 = arith.constant 0 : i32
        %dma_start3A_179 = tpu.memref_slice %arg5[%dma_start3A_177, %dma_start3A_178] : memref<2x16384xf32, #tpu.memory_space<vmem>> -> memref<1x16384xf32, #tpu.memory_space<vmem>>
        %dma_start3A_180 = tpu.memref_squeeze %dma_start3A_179 : memref<1x16384xf32, #tpu.memory_space<vmem>> -> memref<16384xf32, #tpu.memory_space<vmem>>
        %dma_start3A_181 = tpu.memref_slice %arg2[%add3A_176] : memref<16777216xf32, #tpu.memory_space<hbm>> -> memref<16384xf32, #tpu.memory_space<hbm>>
        %dma_start3A_182 = arith.constant 0 : i32
        %dma_start3A_183 = tpu.memref_slice %arg5[%dma_start3A_177, %dma_start3A_182] : memref<2x16384xf32, #tpu.memory_space<vmem>> -> memref<1x16384xf32, #tpu.memory_space<vmem>>
        %dma_start3A_184 = tpu.memref_squeeze %dma_start3A_183 : memref<1x16384xf32, #tpu.memory_space<vmem>> -> memref<16384xf32, #tpu.memory_space<vmem>>
        %dma_start3A_185 = tpu.memref_slice %arg2[%add3A_176] : memref<16777216xf32, #tpu.memory_space<hbm>> -> memref<16384xf32, #tpu.memory_space<hbm>>
        tpu.enqueue_dma source(%dma_start3A_185 : memref<16384xf32, #tpu.memory_space<hbm>>) target(%dma_start3A_184 : memref<16384xf32, #tpu.memory_space<vmem>>) target_semaphore(%arg8 : memref<!tpu.dma_semaphore, #tpu.memory_space<semaphore_mem>>)
        %mul3A_186 = arith.constant 16384 : i32
        %mul3A_187 = arith.muli %add3A_173, %mul3A_186 : i32
        %add3A_188 = arith.addi %add3A_4, %mul3A_187 : i32
        %dma_start3A_189 = arith.constant 0 : i32
        %dma_start3A_190 = arith.constant 0 : i32
        %dma_start3A_191 = tpu.memref_slice %arg6[%dma_start3A_189, %dma_start3A_190] : memref<2x16384xf32, #tpu.memory_space<vmem>> -> memref<1x16384xf32, #tpu.memory_space<vmem>>
        %dma_start3A_192 = tpu.memref_squeeze %dma_start3A_191 : memref<1x16384xf32, #tpu.memory_space<vmem>> -> memref<16384xf32, #tpu.memory_space<vmem>>
        %dma_start3A_193 = tpu.memref_slice %arg3[%add3A_188] : memref<16777216xf32, #tpu.memory_space<hbm>> -> memref<16384xf32, #tpu.memory_space<hbm>>
        %dma_start3A_194 = arith.constant 0 : i32
        %dma_start3A_195 = tpu.memref_slice %arg6[%dma_start3A_189, %dma_start3A_194] : memref<2x16384xf32, #tpu.memory_space<vmem>> -> memref<1x16384xf32, #tpu.memory_space<vmem>>
        %dma_start3A_196 = tpu.memref_squeeze %dma_start3A_195 : memref<1x16384xf32, #tpu.memory_space<vmem>> -> memref<16384xf32, #tpu.memory_space<vmem>>
        %dma_start3A_197 = tpu.memref_slice %arg3[%add3A_188] : memref<16777216xf32, #tpu.memory_space<hbm>> -> memref<16384xf32, #tpu.memory_space<hbm>>
        tpu.enqueue_dma source(%dma_start3A_197 : memref<16384xf32, #tpu.memory_space<hbm>>) target(%dma_start3A_196 : memref<16384xf32, #tpu.memory_space<vmem>>) target_semaphore(%arg8 : memref<!tpu.dma_semaphore, #tpu.memory_space<semaphore_mem>>)
      } else {
      }
      %dma_wait3A_127 = arith.constant 1 : i32
      %dma_wait3A_128 = arith.constant 0 : i32
      %dma_wait3A_129 = tpu.memref_slice %arg5[%dma_wait3A_127, %dma_wait3A_128] : memref<2x16384xf32, #tpu.memory_space<vmem>> -> memref<1x16384xf32, #tpu.memory_space<vmem>>
      %dma_wait3A_130 = tpu.memref_squeeze %dma_wait3A_129 : memref<1x16384xf32, #tpu.memory_space<vmem>> -> memref<16384xf32, #tpu.memory_space<vmem>>
      %dma_wait3A_131 = arith.constant 0 : i32
      %dma_wait3A_132 = tpu.memref_slice %arg2[%dma_wait3A_131] : memref<16777216xf32, #tpu.memory_space<hbm>> -> memref<16384xf32, #tpu.memory_space<hbm>>
      %dma_wait3A_133 = arith.constant 0 : i32
      %dma_wait3A_134 = tpu.memref_slice %arg5[%dma_wait3A_127, %dma_wait3A_133] : memref<2x16384xf32, #tpu.memory_space<vmem>> -> memref<1x16384xf32, #tpu.memory_space<vmem>>
      %dma_wait3A_135 = tpu.memref_squeeze %dma_wait3A_134 : memref<1x16384xf32, #tpu.memory_space<vmem>> -> memref<16384xf32, #tpu.memory_space<vmem>>
      %dma_wait3A_136 = arith.constant 0 : i32
      %dma_wait3A_137 = tpu.memref_slice %arg2[%dma_wait3A_136] : memref<16777216xf32, #tpu.memory_space<hbm>> -> memref<16384xf32, #tpu.memory_space<hbm>>
      tpu.wait_dma2 semaphore(%arg9 : memref<!tpu.dma_semaphore, #tpu.memory_space<semaphore_mem>>) src(%dma_wait3A_137 : memref<16384xf32, #tpu.memory_space<hbm>>) dst(%dma_wait3A_135 : memref<16384xf32, #tpu.memory_space<vmem>>)
      %dma_wait3A_138 = arith.constant 1 : i32
      %dma_wait3A_139 = arith.constant 0 : i32
      %dma_wait3A_140 = tpu.memref_slice %arg6[%dma_wait3A_138, %dma_wait3A_139] : memref<2x16384xf32, #tpu.memory_space<vmem>> -> memref<1x16384xf32, #tpu.memory_space<vmem>>
      %dma_wait3A_141 = tpu.memref_squeeze %dma_wait3A_140 : memref<1x16384xf32, #tpu.memory_space<vmem>> -> memref<16384xf32, #tpu.memory_space<vmem>>
      %dma_wait3A_142 = arith.constant 0 : i32
      %dma_wait3A_143 = tpu.memref_slice %arg3[%dma_wait3A_142] : memref<16777216xf32, #tpu.memory_space<hbm>> -> memref<16384xf32, #tpu.memory_space<hbm>>
      %dma_wait3A_144 = arith.constant 0 : i32
      %dma_wait3A_145 = tpu.memref_slice %arg6[%dma_wait3A_138, %dma_wait3A_144] : memref<2x16384xf32, #tpu.memory_space<vmem>> -> memref<1x16384xf32, #tpu.memory_space<vmem>>
      %dma_wait3A_146 = tpu.memref_squeeze %dma_wait3A_145 : memref<1x16384xf32, #tpu.memory_space<vmem>> -> memref<16384xf32, #tpu.memory_space<vmem>>
      %dma_wait3A_147 = arith.constant 0 : i32
      %dma_wait3A_148 = tpu.memref_slice %arg3[%dma_wait3A_147] : memref<16777216xf32, #tpu.memory_space<hbm>> -> memref<16384xf32, #tpu.memory_space<hbm>>
      tpu.wait_dma2 semaphore(%arg9 : memref<!tpu.dma_semaphore, #tpu.memory_space<semaphore_mem>>) src(%dma_wait3A_148 : memref<16384xf32, #tpu.memory_space<hbm>>) dst(%dma_wait3A_146 : memref<16384xf32, #tpu.memory_space<vmem>>)
      %ge3A_149 = arith.constant 1 : i32
      %ge3A_150 = arith.cmpi sge, %scan3A_55, %ge3A_149 : i32
      %convert_element_type3A_151 = arith.extui %ge3A_150 : i1 to i32
      %cond3A_152 = arith.constant 0 : i32
      %cond3A_153 = arith.cmpi ne, %convert_element_type3A_151, %cond3A_152 : i32
      scf.if %cond3A_153 {
        %dma_wait3A_172 = arith.constant 1 : i32
        %dma_wait3A_173 = arith.constant 0 : i32
        %dma_wait3A_174 = tpu.memref_slice %arg7[%dma_wait3A_172, %dma_wait3A_173] : memref<2x16384xf32, #tpu.memory_space<vmem>> -> memref<1x16384xf32, #tpu.memory_space<vmem>>
        %dma_wait3A_175 = tpu.memref_squeeze %dma_wait3A_174 : memref<1x16384xf32, #tpu.memory_space<vmem>> -> memref<16384xf32, #tpu.memory_space<vmem>>
        %dma_wait3A_176 = arith.constant 0 : i32
        %dma_wait3A_177 = tpu.memref_slice %arg4[%dma_wait3A_176] : memref<2097152xf32, #tpu.memory_space<hbm>> -> memref<16384xf32, #tpu.memory_space<hbm>>
        %dma_wait3A_178 = arith.constant 0 : i32
        %dma_wait3A_179 = tpu.memref_slice %arg4[%dma_wait3A_178] : memref<2097152xf32, #tpu.memory_space<hbm>> -> memref<16384xf32, #tpu.memory_space<hbm>>
        %dma_wait3A_180 = arith.constant 0 : i32
        %dma_wait3A_181 = tpu.memref_slice %arg7[%dma_wait3A_172, %dma_wait3A_180] : memref<2x16384xf32, #tpu.memory_space<vmem>> -> memref<1x16384xf32, #tpu.memory_space<vmem>>
        %dma_wait3A_182 = tpu.memref_squeeze %dma_wait3A_181 : memref<1x16384xf32, #tpu.memory_space<vmem>> -> memref<16384xf32, #tpu.memory_space<vmem>>
        tpu.wait_dma2 semaphore(%arg11 : memref<!tpu.dma_semaphore, #tpu.memory_space<semaphore_mem>>) src(%dma_wait3A_182 : memref<16384xf32, #tpu.memory_space<vmem>>) dst(%dma_wait3A_179 : memref<16384xf32, #tpu.memory_space<hbm>>)
      } else {
      }
      %parallel_loop3A_154 = arith.constant 0 : i32
      %parallel_loop3A_155 = arith.constant 16384 : i32
      %parallel_loop3A_156 = arith.constant 16 : i32
      scf.for %parallel_loop3A_172 = %parallel_loop3A_154 to %parallel_loop3A_155 step %parallel_loop3A_156  : i32 {
        %parallel_loop3A_173 = arith.constant 1 : i32
        %parallel_loop3A_174 = arith.index_cast %parallel_loop3A_173 : i32 to index
        %parallel_loop3A_175 = arith.index_cast %parallel_loop3A_172 : i32 to index
        %parallel_loop3A_176 = tpu.vector_load %arg6[%parallel_loop3A_174, %parallel_loop3A_175] {strides = array<i32>} : memref<2x16384xf32, #tpu.memory_space<vmem>>, vector<1x16xf32>,
        %parallel_loop3A_177 = vector.shape_cast %parallel_loop3A_176 : vector<1x16xf32> to vector<16xf32>
        %parallel_loop3A_178 = arith.constant 1 : i32
        %parallel_loop3A_179 = arith.index_cast %parallel_loop3A_178 : i32 to index
        %parallel_loop3A_180 = arith.index_cast %parallel_loop3A_172 : i32 to index
        %parallel_loop3A_181 = tpu.vector_load %arg5[%parallel_loop3A_179, %parallel_loop3A_180] {strides = array<i32>} : memref<2x16384xf32, #tpu.memory_space<vmem>>, vector<1x16xf32>,
        %parallel_loop3A_182 = vector.shape_cast %parallel_loop3A_181 : vector<1x16xf32> to vector<16xf32>
        %parallel_loop3A_183 = arith.constant 0.000000e+00 : f32
        %parallel_loop3A_184 = vector.broadcast %parallel_loop3A_183 : f32 to vector<16xf32>
        %parallel_loop3A_185 = arith.cmpf one, %parallel_loop3A_177, %parallel_loop3A_184 : vector<16xf32>
        %parallel_loop3A_186 = arith.constant 1.000000e+00 : f32
        %parallel_loop3A_187 = vector.broadcast %parallel_loop3A_186 : f32 to vector<16xf32>
        %parallel_loop3A_188 = arith.select %parallel_loop3A_185, %parallel_loop3A_177, %parallel_loop3A_187 : vector<16xi1>, vector<16xf32>
        %parallel_loop3A_189 = arith.constant 1.000000e+00 : f32
        %parallel_loop3A_190 = vector.broadcast %parallel_loop3A_189 : f32 to vector<16xf32>
        %parallel_loop3A_191 = arith.divf %parallel_loop3A_190, %parallel_loop3A_188 : vector<16xf32>
        %parallel_loop3A_192 = arith.constant 0.000000e+00 : f32
        %parallel_loop3A_193 = vector.broadcast %parallel_loop3A_192 : f32 to vector<16xf32>
        %parallel_loop3A_194 = arith.select %parallel_loop3A_185, %parallel_loop3A_191, %parallel_loop3A_193 : vector<16xi1>, vector<16xf32>
        %parallel_loop3A_195 = arith.mulf %parallel_loop3A_194, %parallel_loop3A_182 : vector<16xf32>
        %parallel_loop3A_196 = arith.constant 1 : i32
        %parallel_loop3A_197 = arith.index_cast %parallel_loop3A_196 : i32 to index
        %parallel_loop3A_198 = arith.index_cast %parallel_loop3A_172 : i32 to index
        %parallel_loop3A_199 = tpu.vector_load %arg7[%parallel_loop3A_197, %parallel_loop3A_198] {strides = array<i32>} : memref<2x16384xf32, #tpu.memory_space<vmem>>, vector<1x16xf32>,
        %parallel_loop3A_200 = vector.shape_cast %parallel_loop3A_199 : vector<1x16xf32> to vector<16xf32>
        %parallel_loop3A_201 = vector.shape_cast %parallel_loop3A_195 : vector<16xf32> to vector<1x16xf32>
        tpu.vector_store %arg7[%parallel_loop3A_197, %parallel_loop3A_198], %parallel_loop3A_201 {strides = array<i32>} : memref<2x16384xf32, #tpu.memory_space<vmem>>, vector<1x16xf32>,
      } {sc.loop_unroll_factor = 8 : i64, sc.parallel_access}
      %add3A_157 = arith.constant 1 : i32
      %add3A_158 = arith.addi %mul3A_58, %add3A_157 : i32
      %mul3A_159 = arith.constant 16384 : i32
      %mul3A_160 = arith.muli %add3A_158, %mul3A_159 : i32
      %add3A_161 = arith.addi %mul3A_6, %mul3A_160 : i32
      %dma_start3A_162 = arith.constant 1 : i32
      %dma_start3A_163 = arith.constant 0 : i32
      %dma_start3A_164 = tpu.memref_slice %arg7[%dma_start3A_162, %dma_start3A_163] : memref<2x16384xf32, #tpu.memory_space<vmem>> -> memref<1x16384xf32, #tpu.memory_space<vmem>>
      %dma_start3A_165 = tpu.memref_squeeze %dma_start3A_164 : memref<1x16384xf32, #tpu.memory_space<vmem>> -> memref<16384xf32, #tpu.memory_space<vmem>>
      %dma_start3A_166 = tpu.memref_slice %arg4[%add3A_161] : memref<2097152xf32, #tpu.memory_space<hbm>> -> memref<16384xf32, #tpu.memory_space<hbm>>
      %dma_start3A_167 = tpu.memref_slice %arg4[%add3A_161] : memref<2097152xf32, #tpu.memory_space<hbm>> -> memref<16384xf32, #tpu.memory_space<hbm>>
      %dma_start3A_168 = arith.constant 0 : i32
      %dma_start3A_169 = tpu.memref_slice %arg7[%dma_start3A_162, %dma_start3A_168] : memref<2x16384xf32, #tpu.memory_space<vmem>> -> memref<1x16384xf32, #tpu.memory_space<vmem>>
      %dma_start3A_170 = tpu.memref_squeeze %dma_start3A_169 : memref<1x16384xf32, #tpu.memory_space<vmem>> -> memref<16384xf32, #tpu.memory_space<vmem>>
      tpu.enqueue_dma source(%dma_start3A_170 : memref<16384xf32, #tpu.memory_space<vmem>>) target(%dma_start3A_167 : memref<16384xf32, #tpu.memory_space<hbm>>) target_semaphore(%arg11 : memref<!tpu.dma_semaphore, #tpu.memory_space<semaphore_mem>>)
      %scan3A_171 = arith.constant 0 : i32
      scf.yield %scan3A_171 : i32
    }
    %scan3A_33 = arith.constant 2 : i32
    %dma_wait3A = arith.constant 0 : i32
    %dma_wait3A_34 = arith.constant 0 : i32
    %dma_wait3A_35 = tpu.memref_slice %arg7[%dma_wait3A, %dma_wait3A_34] : memref<2x16384xf32, #tpu.memory_space<vmem>> -> memref<1x16384xf32, #tpu.memory_space<vmem>>
    %dma_wait3A_36 = tpu.memref_squeeze %dma_wait3A_35 : memref<1x16384xf32, #tpu.memory_space<vmem>> -> memref<16384xf32, #tpu.memory_space<vmem>>
    %dma_wait3A_37 = arith.constant 0 : i32
    %dma_wait3A_38 = tpu.memref_slice %arg4[%dma_wait3A_37] : memref<2097152xf32, #tpu.memory_space<hbm>> -> memref<16384xf32, #tpu.memory_space<hbm>>
    %dma_wait3A_39 = arith.constant 0 : i32
    %dma_wait3A_40 = tpu.memref_slice %arg4[%dma_wait3A_39] : memref<2097152xf32, #tpu.memory_space<hbm>> -> memref<16384xf32, #tpu.memory_space<hbm>>
    %dma_wait3A_41 = arith.constant 0 : i32
    %dma_wait3A_42 = tpu.memref_slice %arg7[%dma_wait3A, %dma_wait3A_41] : memref<2x16384xf32, #tpu.memory_space<vmem>> -> memref<1x16384xf32, #tpu.memory_space<vmem>>
    %dma_wait3A_43 = tpu.memref_squeeze %dma_wait3A_42 : memref<1x16384xf32, #tpu.memory_space<vmem>> -> memref<16384xf32, #tpu.memory_space<vmem>>
    tpu.wait_dma2 semaphore(%arg10 : memref<!tpu.dma_semaphore, #tpu.memory_space<semaphore_mem>>) src(%dma_wait3A_43 : memref<16384xf32, #tpu.memory_space<vmem>>) dst(%dma_wait3A_40 : memref<16384xf32, #tpu.memory_space<hbm>>)
    %dma_wait3A_44 = arith.constant 1 : i32
    %dma_wait3A_45 = arith.constant 0 : i32
    %dma_wait3A_46 = tpu.memref_slice %arg7[%dma_wait3A_44, %dma_wait3A_45] : memref<2x16384xf32, #tpu.memory_space<vmem>> -> memref<1x16384xf32, #tpu.memory_space<vmem>>
    %dma_wait3A_47 = tpu.memref_squeeze %dma_wait3A_46 : memref<1x16384xf32, #tpu.memory_space<vmem>> -> memref<16384xf32, #tpu.memory_space<vmem>>
    %dma_wait3A_48 = arith.constant 0 : i32
    %dma_wait3A_49 = tpu.memref_slice %arg4[%dma_wait3A_48] : memref<2097152xf32, #tpu.memory_space<hbm>> -> memref<16384xf32, #tpu.memory_space<hbm>>
    %dma_wait3A_50 = arith.constant 0 : i32
    %dma_wait3A_51 = tpu.memref_slice %arg4[%dma_wait3A_50] : memref<2097152xf32, #tpu.memory_space<hbm>> -> memref<16384xf32, #tpu.memory_space<hbm>>
    %dma_wait3A_52 = arith.constant 0 : i32
    %dma_wait3A_53 = tpu.memref_slice %arg7[%dma_wait3A_44, %dma_wait3A_52] : memref<2x16384xf32, #tpu.memory_space<vmem>> -> memref<1x16384xf32, #tpu.memory_space<vmem>>
    %dma_wait3A_54 = tpu.memref_squeeze %dma_wait3A_53 : memref<1x16384xf32, #tpu.memory_space<vmem>> -> memref<16384xf32, #tpu.memory_space<vmem>>
    tpu.wait_dma2 semaphore(%arg11 : memref<!tpu.dma_semaphore, #tpu.memory_space<semaphore_mem>>) src(%dma_wait3A_54 : memref<16384xf32, #tpu.memory_space<vmem>>) dst(%dma_wait3A_51 : memref<16384xf32, #tpu.memory_space<hbm>>)
    return
  }
}

</mosaic_0001>

<sc_bundles>
// kernel: kernel.3.cloned.1.call-start
scs
__scs_entry_jumppad:
0x0: {  	(pc) =	sbr.rel $0x88, $3  }
0x1: {  	(tag) =	ssettag $0x0;
	lr =	simm.s32 $0x1  }
0x2: {  	[smem:$0x3F9F] =	sst lr;
	_ =	strace $0xD0000000  }
0x3: {  	_ = 	snop  }
0x4: {  	_ = 	snop  }
0x5: {  	_ = 	snop  }
0x6: {  	_ = 	snop  }
0x7: {  	_ = 	snop  }
__scs_overlays_trampoline_lowered:
0x8: {  	[smem:$0x3FAE] =	sst s0  }
0x9: {  	[smem:$0x3FAF] =	sst s1  }
0xa: {  	[smem:$0x3FB0] =	sst s2  }
0xb: {  	[smem:$0x3FB1] =	sst s3  }
0xc: {  	[smem:$0x3FB2] =	sst s4  }
0xd: {  	[smem:$0x3FB3] =	sst s5  }
0xe: {  	[smem:$0x3FB4] =	sst s6  }
0xf: {  	[smem:$0x3FB5] =	sst s7  }
0x10: {  	[smem:$0x3FB6] =	sst s8  }
0x11: {  	[smem:$0x3FB7] =	sst s9;
	s0 =	simm.s32 @!p0 $0x0  }
0x12: {  	s1 =	sld [smem:$0x3F9D];
	s0 =	simm.s32 @p0 $0x1  }
0x13: {  	[smem:$0x3FB8] =	sst s0;
	s0 =	simm.s32 @!p1 $0x0  }
0x14: {  	s2 =	sld [smem:$0x3F9C];
	s0 =	simm.s32 @p1 $0x1  }
0x15: {  	[smem:$0x3FB9] =	sst s0;
	s0 =	simm.s32 @!p2 $0x0  }
0x16: {  	s3 =	sld [smem:$0x3FDB];
	s0 =	simm.s32 @p2 $0x1  }
0x17: {  	s4 =	simm.s32 $0x1BF5;
	[smem:$0x3FBB] =	sst s0  }
0x18: {  	s0 =	sld [smem:$0x3F9E];
	_ =	swait.ge [sflag:s4], $0x0  }
0x19: {  	s7 =	sld [smem:$0x3F9F]  }
0x1a: {  	s8 =	sadd.s32 $0xFFFFE003, lr  }
0x1b: {  	s9 =	sadd.s32 $0xFFFFFEF7, lr;
	s5 =	simm.s32 $0xFFFFFFFF;
	p2 =	slt.u32 s8, $0xFFFFF086  }
0x1c: {  	p1 =	slt.u32 s9, $0xF7A;
	s5 =	simm.s32 @!p2 $0x0  }
0x1d: {  	s5 =	simm.s32 @p1 $0x1;
	p0 =	seq.s32 s7, s2  }
0x1e: {  	s7 =	smul.u32 @!p0 $0xF7A, s2;
	p2 =	seq.s32 @!p0 s5, $0x0  }
0x1f: {  	s9 =	smul.u32 $0xF7A, s1;
	s8 =	simm.s32 @!p0 $0x1BF5;
	p2 =	por !p2, p0  }
0x20: {  	[sflag:s8] =	ssyncset.s32 @!p0 $0xFFFFF086;
	s6 =	sadd.s32 @!p0 s3, s7;
	s7 =	simm.s32 @!p0 $0x108  }
0x21: {  	s3 =	sadd.s32 s3, s9;
	s6 =	sadd.s32 @!p0 $0x88, s6;
	s7 =	simm.s32 @p2 $0x1082  }
0x22: {  	[simem:s7], [sflag:s8] =	dma.local @!p0 [hbm:s6], $0xF7A  }
0x23: {  	s9 =	sor.u32 $0xD0000000, s2;
	s6 =	simm.s32 $0x108;
	_ =	swait.ge @!p0 [sflag:s8], $0x0  }
0x24: {  	s3 =	sadd.s32 $0x88, s3;
	s6 =	simm.s32 @!p1 $0x1082;
	[sflag:s4] =	ssyncset.s32 $0xFFFFF086  }
0x25: {  	[simem:s6], [sflag:s4] =	dma.local [hbm:s3], $0xF7A  }
0x26: {  	[smem:$0x3F9F] =	sst s1;
	(tag) =	ssettag s2;
	_ =	strace s9  }
0x27: {  	s1 =	sld [smem:$0x3FAF]  }
0x28: {  	s2 =	sld [smem:$0x3FB0]  }
0x29: {  	s4 =	sld [smem:$0x3FB2]  }
0x2a: {  	p0 =	seq.s32 s5, $0x0;
	s5 =	sld [smem:$0x3FB3]  }
0x2b: {  	s6 =	sld [smem:$0x3FB4]  }
0x2c: {  	s7 =	sld [smem:$0x3FB5]  }
0x2d: {  	s3 =	simm.s32 $0x108;
	s8 =	sld [smem:$0x3FB6]  }
0x2e: {  	s3 =	simm.s32 @!p0 $0x1082;
	s9 =	sld [smem:$0x3FB7]  }
0x2f: {  	lr =	sadd.s32 s0, s3;
	s0 =	sld [smem:$0x3FAE]  }
0x30: {  	s3 =	sld [smem:$0x3FB1]  }
0x31: {  	[smem:$0x3FBA] =	sst s10  }
0x32: {  	s10 =	sld [smem:$0x3FB8];
	_ =	sdelay $0x3  }
0x33: {  	p0 =	seq.s32 s10, $0x1;
	s10 =	sld [smem:$0x3FBA];
	_ =	sdelay $0x3  }
0x34: {  	[smem:$0x3FBA] =	sst s10  }
0x35: {  	s10 =	sld [smem:$0x3FB9];
	_ =	sdelay $0x3  }
0x36: {  	p1 =	seq.s32 s10, $0x1;
	s10 =	sld [smem:$0x3FBA];
	_ =	sdelay $0x3  }
0x37: {  	[smem:$0x3FBA] =	sst s10  }
0x38: {  	s10 =	sld [smem:$0x3FBB]  }
0x39: {  	_ = 	snop;
	(pc) =	sbr.ind lr, $3  }
0x3a: {  	_ = 	snop  }
0x3b: {  	_ = 	snop  }
0x3c: {  	p2 =	seq.s32 s10, $0x1;
	s10 =	sld [smem:$0x3FBA]  }
0x3d: {  	_ =	shalt  }
0x3e: {  	_ =	shalt  }
0x3f: {  	_ =	shalt  }
0x40: {  	_ =	shalt  }
0x41: {  	_ =	shalt  }
0x42: {  	_ =	shalt  }
0x43: {  	_ =	shalt  }
0x44: {  	_ =	shalt  }
0x45: {  	_ =	shalt  }
0x46: {  	_ =	shalt  }
0x47: {  	_ =	shalt  }
0x48: {  	_ =	shalt  }
0x49: {  	_ =	shalt  }
0x4a: {  	_ =	shalt  }
0x4b: {  	_ =	shalt  }
0x4c: {  	_ =	shalt  }
0x4d: {  	_ =	shalt  }
0x4e: {  	_ =	shalt  }
0x4f: {  	_ =	shalt  }
0x50: {  	_ =	shalt  }
0x51: {  	_ =	shalt  }
0x52: {  	_ =	shalt  }
0x53: {  	_ =	shalt  }
0x54: {  	_ =	shalt  }
0x55: {  	_ =	shalt  }
0x56: {  	_ =	shalt  }
0x57: {  	_ =	shalt  }
0x58: {  	_ =	shalt  }
0x59: {  	_ =	shalt  }
0x5a: {  	_ =	shalt  }
0x5b: {  	_ =	shalt  }
0x5c: {  	_ =	shalt  }
0x5d: {  	_ =	shalt  }
0x5e: {  	_ =	shalt  }
0x5f: {  	_ =	shalt  }
0x60: {  	_ =	shalt  }
0x61: {  	_ =	shalt  }
0x62: {  	_ =	shalt  }
0x63: {  	_ =	shalt  }
0x64: {  	_ =	shalt  }
0x65: {  	_ =	shalt  }
0x66: {  	_ =	shalt  }
0x67: {  	_ =	shalt  }
0x68: {  	_ =	shalt  }
0x69: {  	_ =	shalt  }
0x6a: {  	_ =	shalt  }
0x6b: {  	_ =	shalt  }
0x6c: {  	_ =	shalt  }
0x6d: {  	_ =	shalt  }
0x6e: {  	_ =	shalt  }
0x6f: {  	_ =	shalt  }
0x70: {  	_ =	shalt  }
0x71: {  	_ =	shalt  }
0x72: {  	_ =	shalt  }
0x73: {  	_ =	shalt  }
0x74: {  	_ =	shalt  }
0x75: {  	_ =	shalt  }
0x76: {  	_ =	shalt  }
0x77: {  	_ =	shalt  }
0x78: {  	_ =	shalt  }
0x79: {  	_ =	shalt  }
0x7a: {  	_ =	shalt  }
0x7b: {  	_ =	shalt  }
0x7c: {  	_ =	shalt  }
0x7d: {  	_ =	shalt  }
0x7e: {  	_ =	shalt  }
0x7f: {  	_ =	shalt  }
0x80: {  	_ =	shalt  }
0x81: {  	_ =	shalt  }
0x82: {  	_ =	shalt  }
0x83: {  	_ =	shalt  }
0x84: {  	_ =	shalt  }
0x85: {  	_ =	shalt  }
0x86: {  	_ =	shalt  }
0x87: {  	_ =	shalt  }
.Lfunc_end0:
.L_simem_size_0:
called_computation_lowered:
.L_overlay_start_0:
0x88: {  	s2 =	sld [smem:$0x3FD9]  }
0x89: {  	s3 =	sld [smem:$0x3FFE];
	_ =	sdelay $0x1  }
0x8a: {  	s1 =	srdreg.scid  }
0x8b: {  	s0 =	sand.u32 $0x1, s1  }
0x8c: {  	s17 =	sshll.u32 s0, $0xA;
	s2 =	sadd.s32 s3, s2  }
0x8d: {  	s2 =	sadd.s32 s2, s17  }
0x8e: {  	[smem:$0x3FC6] =	sst s2  }
0x8f: {  	_ = 	snop  }
0x90: {  	s2 =	sld [smem:$0x3FC9]  }
0x91: {  	s18 =	sld [smem:$0x3FC8];
	(tm) =	ssettm $0x1  }
0x92: {  	s4 =	sld [smem:$0x3FFB];
	_ =	sdelay $0x3  }
0x93: {  	_ =	strace s4  }
0x94: {  	s4 =	sld [smem:$0x3FFC];
	_ =	sdelay $0x3  }
0x95: {  	_ =	strace s4  }
0x96: {  	s4 =	sld [smem:$0x3FFD];
	_ =	sdelay $0x3  }
0x97: {  	_ =	strace s4  }
0x98: {  	_ =	strace $0x8FFFFFFF  }
0x99: {  	s19 =	sld [smem:$0x3FDB];
	_ =	sdelay $0x1  }
0x9a: {  	s5 =	simm.s32 $_scs_section_size  }
0x9b: {  	s6 =	simm.s32 $_size__tile_overlayer_lowered;
	s7 =	simm.s32 $_tile_overlayer_lowered  }
0x9c: {  	s22 =	simm.s32 $0x1BFF;
	s21 =	sshll.u32 s7, $0x1;
	s4 =	sadd.s32 s5, s19  }
0x9d: {  	s8 =	simm.s32 $0x0;
	s20 =	sshll.u32 s6, $0x1;
	s6 =	sadd.s32 s21, s4  }
0x9e: {  	[timem:s8], [sflag:s22] =	dma.local [hbm:s6], s20  }
0x9f: {  	_ =	swait.ge [sflag:s22], s20  }
0xa0: {  	s5 =	ssub.s32 $0x0, s20;
	[sflag:s22] =	ssyncset.done $0x0  }
0xa1: {  	[sflag:s22] =	ssyncadd.s32 s5;
	_ =	sdelay $0x1  }
0xa2: {  	s23 =	simm.s32 $0x1B8B  }
0xa3: {  	_ =	swait.ge [sflag:s23], $0x1  }
0xa4: {  	[sflag:s23] =	ssyncset.done $0x0  }
0xa5: {  	s25 =	simm.s32 $0x1B8E;
	s24 =	sld [smem:$0x3FFE];
	[sflag:s23] =	ssyncadd.s32 $0xFFFFFFFF  }
0xa6: {  	s26 =	simm.s32 $execute0_lowered;
	[smem:$0x3FD2] =	sst s25  }
0xa7: {  	s6 =	sshll.u32 s26, $0x1;
	_ =	strace $0x80000046;
	[dreg:$0x1] =	wrdreg $0xFFFFFFFF  }
0xa8: {  	s28 =	simm.s32 $_size_execute0_lowered;
	s4 =	sadd.s32 s4, s6;
	[dreg:$0x0] =	wrdreg $0x0  }
0xa9: {  	s6 =	sshll.u32 s28, $0x1;
	[dreg:$0x2] =	wrdreg s4  }
0xaa: {  	[dreg:$0x3] =	wrdreg s6  }
0xab: {  	[dreg:$0x4] =	wrdreg $0xC0  }
0xac: {  	_ =	task [dreg:s8], $0x5FFFF  }
0xad: {  	[dreg:$0x1] =	wrdreg $0xFFFFFFFF  }
0xae: {  	[dreg:$0x0] =	wrdreg $0x60  }
0xaf: {  	[dreg:$0x2] =	wrdreg s2  }
0xb0: {  	[dreg:$0x3] =	wrdreg s18  }
0xb1: {  	[dreg:$0x4] =	wrdreg s24  }
0xb2: {  	[dreg:$0x5] =	wrdreg $0x9  }
0xb3: {  	_ =	task.clear_ibuf [dreg:s8], $0x6FFFF;
	_ =	strace $0x90000046  }
0xb4: {  	s29 =	simm.s32 $0x9;
	_ =	strace $0x80000048  }
0xb5: {  	_ =	swait.ge [sflag:s29], $0x1  }
0xb6: {  	[sflag:s29] =	ssyncadd.s32 $0xFFFFFFFF  }
0xb7: {  	_ =	strace $0x90000048  }
0xb8: {  	_ =	sfence  }
0xb9: {  	s30 =	sld [smem:$0x0];
	_ =	sdelay $0x2  }
0xba: {  	s31 =	sshll.u32 s1, $0xD;
	s1 =	sshrl.u32 s1, $0x2  }
0xbb: {  	s3 =	sand.u32 $0x4000, s31;
	s1 =	sadd.s32 s1, s30  }
0xbc: {  	s0 =	sor.u32 s3, s0;
	s1 =	sshll.u32 s1, $0x11  }
0xbd: {  	s0 =	sor.u32 s1, s0  }
0xbe: {  	s0 =	sadd.s32 $0x8F2B, s0  }
0xbf: {  	[sflag:s0] =	ssyncadd.remote.s32 $0x1  }
0xc0: {  	_ =	sfence.sel $0xFFFF  }
0xc1: {  	[dreg:$0x0] =	wrdreg $0xFFFFFFFF;
	(pc) =	sbr.abs _section_cstart, $3  }
0xc2: {  	[dreg:$0x1] =	wrdreg $0xFFFFFFFF  }
0xc3: {  	_ =	task.clear_ibuf [dreg:s8], $0x2FFFF;
	_ =	strace $0x9FFFFFFF  }
0xc4: {  	(tm) =	ssettm $0x7FFFFFFF  }
0xc5: {  	_ =	shalt  }
tec
execute0_lowered:
.L_overlay_start_1:
0x0: {  	(tag) =	ssettag $0x1  }
0x1: {  	s1 =	rddreg [dreg:$0x0]  }
0x2: {  	s3 =	rddreg [dreg:$0x1]  }
0x3: {  	s7 =	rddreg [dreg:$0x2];
	s4 =	srdreg.scid  }
0x4: {  	s0 =	rddreg [dreg:$0x3];
	s2 =	stileid.u32;
	s12 =	simm.s32 $0x1  }
0x5: {  	s13 =	simm.s32 $0x2;
	s14 =	simm.s32 $0x3;
	s15 =	simm.s32 $0x4  }
0x6: {  	s16 =	simm.s32 $0x0;
	s5 =	sand.u32 $0x1, s4;
	s4 =	simm.s32 $0x0  }
0x7: {  	s6 =	sshll.u32 s2, $0x11;
	s7 =	sadd.s32 $0x400, s7;
	s8 =	sshll.u32 s5, $0x10  }
0x8: {  	[smem:$0x7FF] =	sst s4;
	s9 =	ssub.s32 $0x2, s5;
	s5 =	sor.u32 s8, s6  }
0x9: {  	_ =	strace $0x80000047;
	s30 =	sshrl.u32 s9, $0x1;
	s6 =	sor.u32 $0xE00000, s5  }
0xa: {  	s11 =	ssub.s32 s9, s30;
	s10 =	sor.u32 $0xE08000, s5;
	s31 =	sshrl.u32 s6, $0x3  }
0xb: {  	s11 =	smax.u32 s11, $0x1;
	s8 =	sadd.s32 s1, s31;
	s9 =	sadd.s32 s3, s31  }
.LBB2_1:
0xc: {  	s17 =	simm.s32 $0x10  }
0xd: {  	s20 =	sadd.s32 $0x0, s8;
	s18 =	simm.s32 $0x100;
	s19 =	simm.s32 $0x0  }
.LBB2_2:
0xe: {  	[tilespmem:s19], [sflag:$0x1] =	stream.linear.gather [hbm4b:s20+s4], $0x80, $0x38;
	[tilespmem:$0x18000] =	vst v63  }
0xf: {  	s20 =	smov.u32 s17;
	s19 =	smov.u32 s18;
	p0 =	sne.s32 s17, $0x7F0  }
.Ltmp0:
0x10: {  	s17 =	sadd.s32 $0x10, s17;
	(pc) =	sbr.rel @p0 .LBB2_2-.Ltmp0, $2  }
0x11: {  	_ =	sdelay $0x2  }
0x12: {  	s18 =	sadd.s32 $0x100, s18;
	s20 =	sadd.s32 s20, s8  }
0x13: {  	[tilespmem:s19], [sflag:$0x1] =	stream.linear.gather [hbm4b:s20+s4], $0x80, $0x38;
	[tilespmem:$0x18000] =	vst v63  }
0x14: {  	s18 =	simm.s32 $0x0;
	s17 =	simm.s32 $0x8000;
	s19 =	simm.s32 $0x0  }
.LBB2_4:
0x15: {  	p0 =	sne.s32 s19, $0x7F0  }
.Ltmp1:
0x16: {  	_ = 	snop;
	(pc) =	sbr.rel @p0 .LBB2_4-.Ltmp1, $4  }
0x17: {  	_ = 	snop  }
0x18: {  	s20 =	sadd.s32 s19, s9  }
0x19: {  	[tilespmem:s17], [sflag:$0x1] =	stream.linear.gather [hbm4b:s20+s18], $0x80, $0x38;
	[tilespmem:$0x18000] =	vst v63  }
0x1a: {  	s19 =	sadd.s32 $0x10, s19;
	s17 =	sadd.s32 $0x100, s17  }
0x1b: {  	p2 =	por $0x1, $0x1;
	p1 =	por $0x0, $0x0  }
.LBB2_6:
0x1c: {  	s17 =	sor.u32 $0x4000, s18  }
0x1d: {  	s19 =	sor.u32 s6, s17  }
0x1e: {  	s19 =	sshrl.u32 s19, $0x3  }
0x1f: {  	s21 =	simm.s32 $0x80;
	p0 =	por p2, p2;
	s20 =	sadd.s32 s1, s19  }
0x20: {  	s22 =	simm.s32 $0x10;
	s23 =	simm.s32 $0x180;
	s24 =	sadd.s32 $0x0, s20  }
.LBB2_7:
0x21: {  	[tilespmem:s21], [sflag:$0x2] =	stream.linear.gather [hbm4b:s24+s4], $0x80, $0x38;
	[tilespmem:$0x18000] =	vst v63  }
0x22: {  	s24 =	smov.u32 s22;
	s21 =	smov.u32 s23;
	p2 =	sne.s32 s22, $0x7F0  }
.Ltmp2:
0x23: {  	s22 =	sadd.s32 $0x10, s22;
	(pc) =	sbr.rel @p2 .LBB2_7-.Ltmp2, $2  }
0x24: {  	_ =	sdelay $0x2  }
0x25: {  	s23 =	sadd.s32 $0x100, s23;
	s24 =	sadd.s32 s24, s20  }
0x26: {  	[tilespmem:s21], [sflag:$0x2] =	stream.linear.gather [hbm4b:s24+s4], $0x80, $0x38;
	[tilespmem:$0x18000] =	vst v63  }
0x27: {  	s19 =	sadd.s32 s3, s19;
	s20 =	simm.s32 $0x8080  }
0x28: {  	s21 =	simm.s32 $0x10;
	s22 =	simm.s32 $0x8180;
	s23 =	sadd.s32 $0x0, s19  }
.LBB2_9:
0x29: {  	[tilespmem:s20], [sflag:$0x2] =	stream.linear.gather [hbm4b:s23+s4], $0x80, $0x38;
	[tilespmem:$0x18000] =	vst v63  }
0x2a: {  	s23 =	smov.u32 s21;
	s20 =	smov.u32 s22;
	p2 =	sne.s32 s21, $0x7F0  }
.Ltmp3:
0x2b: {  	s21 =	sadd.s32 $0x10, s21;
	(pc) =	sbr.rel @p2 .LBB2_9-.Ltmp3, $2  }
0x2c: {  	_ =	sdelay $0x2  }
0x2d: {  	s22 =	sadd.s32 $0x100, s22;
	s23 =	sadd.s32 s23, s19  }
0x2e: {  	[tilespmem:s20], [sflag:$0x2] =	stream.linear.gather [hbm4b:s23+s4], $0x80, $0x38;
	[tilespmem:$0x18000] =	vst v63  }
0x2f: {  	_ =	swait.ge [sflag:s12], $0x4000  }
0x30: {  	[sflag:s12] =	ssyncset.done $0x0  }
0x31: {  	[sflag:s12] =	ssyncadd.s32 $0xFFFFC000  }
0x32: {  	_ =	swait.ge [sflag:s12], $0x4000  }
0x33: {  	[sflag:s12] =	ssyncset.done $0x0  }
0x34: {  	s19 =	simm.s32 @p1 $0x3;
	[sflag:s12] =	ssyncadd.s32 $0xFFFFC000  }
0x35: {  	_ =	swait.ge @p1 [sflag:s19], $0x4000  }
0x36: {  	[sflag:s19] =	ssyncset.done @p1 $0x0  }
0x37: {  	s29 =	simm.s32 $0x8040;
	[sflag:s19] =	ssyncadd.s32 @p1 $0xFFFFC000  }
0x38: {  	v0 =	vld [tilespmem:s29+$0xFFFFFFD0]  }
0x39: {  	v1 =	vld [tilespmem:s29+$0x20]  }
0x3a: {  	v3 =	vld [tilespmem:s29+$0x30]  }
0x3b: {  	v4 =	vld [tilespmem:s29+$0x0]  }
0x3c: {  	v5 =	vld [tilespmem:s29+$0xFFFFFFF0]  }
0x3d: {  	v7 =	vld [tilespmem:s29+$0xFFFFFFC0]  }
0x3e: {  	v2 =	vld [tilespmem:s29+$0x10];
	_ =	sdelay $0x1  }
0x3f: {  	vm0 =	vlt.f32 v0, $0.0e+00;
	vm1 =	vgt.f32 v0, $0.0e+00;
	vm2 =	vlt.f32 v1, $0.0e+00  }
0x40: {  	v6 =	vld [tilespmem:s29+$0xFFFFFFE0];
	vm3 =	vgt.f32 v1, $0.0e+00;
	vm5 =	vlt.f32 v3, $0.0e+00;
	vm6 =	vlt.f32 v5, $0.0e+00  }
0x41: {  	vm7 =	vgt.f32 v3, $0.0e+00;
	vm8 =	vgt.f32 v4, $0.0e+00;
	vm9 =	vlt.f32 v7, $0.0e+00  }
0x42: {  	vm4 =	vmor vm1, vm0;
	vm0 =	vmor vm3, vm2;
	vm1 =	vlt.f32 v2, $0.0e+00  }
0x43: {  	vm2 =	vgt.f32 v2, $0.0e+00;
	vm3 =	vgt.f32 v5, $0.0e+00;
	v1 =	vnsel vm0, $0x3F800000, v1  }
0x44: {  	vm2 =	vmor vm2, vm1;
	vm1 =	vlt.f32 v4, $0.0e+00;
	(erf) = vrcp.f32 v1  }
0x45: {  	s31 =	simm.s32 $0x8140;
	vm3 =	vmor vm3, vm6;
	vm6 =	vlt.f32 v6, $0.0e+00;
	v1 =	vnsel vm2, $0x3F800000, v2  }
0x46: {  	v8 =	vld [tilespmem:s31+$0xFFFFFFD0];
	vm8 =	vmor vm8, vm1;
	vm1 =	vgt.f32 v6, $0.0e+00;
	(erf) = vrcp.f32 v1  }
0x47: {  	v12 =	vld [tilespmem:s31+$0x30];
	vm5 =	vmor vm7, vm5;
	v1 =	vnsel vm3, $0x3F800000, v5;
	vm1 =	vmor vm1, vm6  }
0x48: {  	v15 =	vld [tilespmem:s31+$0xFFFFFFF0];
	vm6 =	vgt.f32 v7, $0.0e+00;
	(erf) = vrcp.f32 v1;
	v1 =	vnsel vm8, $0x3F800000, v4  }
0x49: {  	s30 =	simm.s32 $0x40;
	v9 =	vld [tilespmem:s31+$0x20];
	v0 =	vnsel vm4, $0x3F800000, v0;
	vm7 =	vmor vm6, vm9;
	(erf) = vrcp.f32 v1  }
0x4a: {  	v2 =	vld [tilespmem:s30+$0x20];
	v4 =	vnsel vm7, $0x3F800000, v7;
	(erf) = vrcp.f32 v0  }
0x4b: {  	v6 =	vnsel vm1, $0x3F800000, v6;
	v0 =	vld [tilespmem:s31+$0xFFFFFFE0];
	(erf) = vrcp.f32 v4  }
0x4c: {  	vm10 =	vlt.f32 v12, $0.0e+00;
	(erf) = vrcp.f32 v6;
	v6 =	vld [tilespmem:s31+$0x10]  }
0x4d: {  	vm11 =	vgt.f32 v12, $0.0e+00;
	vm14 =	vlt.f32 v15, $0.0e+00;
	v3 =	vnsel vm5, $0x3F800000, v3;
	v1 =	vld [tilespmem:s31+$0x0];
	v4 =	vpop (erf)  }
0x4e: {  	vm4 =	vmmov vm4;
	v5 =	vld [tilespmem:s30+$0x10];
	vm8 =	vmmov vm8;
	v4 =	vnsel vm0, $0x0, v4  }
0x4f: {  	vm6 =	vlt.f32 v8, $0.0e+00;
	(erf) = vrcp.f32 v3;
	v3 =	vld [tilespmem:s31+$0xFFFFFFC0];
	v11 =	vmul.f32 v4, v2;
	v2 =	vpop (erf)  }
0x50: {  	vm9 =	vgt.f32 v9, $0.0e+00;
	vm12 =	vlt.f32 v0, $0.0e+00;
	v2 =	vnsel vm2, $0x0, v2  }
0x51: {  	vm0 =	vmmov vm5;
	vm5 =	vgt.f32 v8, $0.0e+00;
	vm13 =	vlt.f32 v6, $0.0e+00  }
0x52: {  	vm2 =	vmor vm5, vm6;
	vm5 =	vlt.f32 v1, $0.0e+00;
	vm6 =	vlt.f32 v9, $0.0e+00  }
0x53: {  	v14 =	vmul.f32 v2, v5;
	v4 =	vnsel vm2, $0x3F800000, v8;
	v8 =	vld [tilespmem:s30+$0xFFFFFFD0];
	vm6 =	vmor vm9, vm6;
	v2 =	vpop (erf)  }
0x54: {  	vm9 =	vlt.f32 v3, $0.0e+00;
	v5 =	vnsel vm3, $0x0, v2;
	vm3 =	vgt.f32 v1, $0.0e+00;
	v16 =	vpop (erf)  }
0x55: {  	v17 =	vld [tilespmem:s30+$0xFFFFFFC0];
	v9 =	vnsel vm6, $0x3F800000, v9;
	vm5 =	vmor vm3, vm5;
	vm3 =	vgt.f32 v6, $0.0e+00;
	v7 =	vpop (erf)  }
0x56: {  	v13 =	vld [tilespmem:s30+$0xFFFFFFF0];
	(erf) = vrcp.f32 v9;
	vm3 =	vmor vm3, vm13;
	vm13 =	vgt.f32 v15, $0.0e+00;
	v18 =	vpop (erf)  }
0x57: {  	s19 =	simm.s32 $0x10040;
	v10 =	vld [tilespmem:s30+$0x0];
	v9 =	vnsel vm4, $0x0, v7;
	vm4 =	vgt.f32 v0, $0.0e+00;
	v6 =	vnsel vm3, $0x3F800000, v6;
	v7 =	vpop (erf)  }
0x58: {  	s21 =	simm.s32 $0x140;
	[tilespmem:s19+$0x20] =	vst v11;
	v11 =	vld [tilespmem:s30+$0xFFFFFFE0];
	(erf) = vrcp.f32 v6;
	v7 =	vnsel vm1, $0x0, v7;
	v6 =	vmul.f32 v9, v8  }
0x59: {  	v2 =	vld [tilespmem:s21+$0x20];
	vm1 =	vmor vm4, vm12;
	vm4 =	vmor vm13, vm14;
	v8 =	vnsel vm7, $0x0, v18  }
0x5a: {  	s23 =	simm.s32 $0x80;
	[tilespmem:s19+$0x10] =	vst v14;
	vm7 =	vmor vm11, vm10;
	v15 =	vnsel vm4, $0x3F800000, v15;
	v14 =	vmul.f32 v8, v17;
	v8 =	vld [tilespmem:s30+$0x30]  }
0x5b: {  	s24 =	simm.s32 $0x8240;
	s22 =	simm.s32 $0x10040;
	s20 =	simm.s32 $0x140;
	v9 =	vpop (erf);
	v12 =	vnsel vm7, $0x3F800000, v12;
	[tilespmem:s19+$0xFFFFFFD0] =	vst v6;
	v6 =	vld [tilespmem:s21+$0x10];
	(erf) = vrcp.f32 v15;
	v15 =	vnsel vm8, $0x0, v16  }
.LBB2_11:
0x5c: {  	vm10 =	vgt.f32 v3, $0.0e+00;
	v1 =	vnsel vm5, $0x3F800000, v1  }
0x5d: {  	v16 =	vld [tilespmem:s24+$0xFFFFFFD0];
	s23 =	sadd.s32 $0x80, s23;
	v5 =	vmul.f32 v5, v13;
	s19 =	sadd.s32 $0x100, s19;
	vm11 =	vmmov vm2;
	vm8 =	vmmov vm5  }
0x5e: {  	v17 =	vld [tilespmem:s24+$0x30];
	p2 =	slt.u32 s23, $0x3F80;
	vm10 =	vmor vm10, vm9;
	(erf) = vrcp.f32 v1;
	[tilespmem:s22+$0xFFFFFFC0] =	vst v14;
	v10 =	vmul.f32 v15, v10  }
0x5f: {  	v13 =	vld [tilespmem:s24+$0x20];
	v14 =	vnsel vm10, $0x3F800000, v3;
	(erf) = vrcp.f32 v4;
	v4 =	vmul.f32 v7, v11;
	[tilespmem:s22+$0xFFFFFFF0] =	vst v5  }
0x60: {  	v11 =	vnsel vm1, $0x3F800000, v0;
	v7 =	vnsel vm0, $0x0, v9;
	v1 =	vld [tilespmem:s24+$0x0];
	(erf) = vrcp.f32 v14;
	v3 =	vpop (erf);
	[tilespmem:s22+$0x0] =	vst v10  }
0x61: {  	v0 =	vld [tilespmem:s24+$0xFFFFFFE0];
	v3 =	vnsel vm6, $0x0, v3;
	(erf) = vrcp.f32 v11;
	[tilespmem:s22+$0xFFFFFFE0] =	vst v4;
	v4 =	vmul.f32 v7, v8  }
0x62: {  	vm0 =	vmmov vm7;
	vm2 =	vlt.f32 v16, $0.0e+00;
	v7 =	vld [tilespmem:s24+$0x10];
	v2 =	vmul.f32 v3, v2;
	v5 =	vpop (erf)  }
0x63: {  	vm5 =	vgt.f32 v16, $0.0e+00;
	v3 =	vld [tilespmem:s24+$0xFFFFFFC0];
	v9 =	vnsel vm3, $0x0, v5;
	(erf) = vrcp.f32 v12;
	[tilespmem:s22+$0x30] =	vst v4;
	s22 =	smov.u32 s19  }
0x64: {  	s21 =	sadd.s32 $0x100, s21;
	vm2 =	vmor vm5, vm2;
	vm7 =	vlt.f32 v17, $0.0e+00;
	v8 =	vld [tilespmem:s24+$0xFFFFFFF0];
	v6 =	vmul.f32 v9, v6;
	[tilespmem:s19+$0x20] =	vst v2  }
0x65: {  	vm12 =	vgt.f32 v17, $0.0e+00;
	v4 =	vnsel vm2, $0x3F800000, v16;
	vm3 =	vlt.f32 v1, $0.0e+00;
	v2 =	vld [tilespmem:s21+$0x20];
	v5 =	vpop (erf)  }
0x66: {  	vm6 =	vlt.f32 v13, $0.0e+00;
	vm13 =	vlt.f32 v0, $0.0e+00;
	v5 =	vnsel vm4, $0x0, v5;
	[tilespmem:s19+$0x10] =	vst v6  }
0x67: {  	vm9 =	vgt.f32 v13, $0.0e+00;
	vm4 =	vgt.f32 v1, $0.0e+00;
	vm14 =	vlt.f32 v7, $0.0e+00;
	v6 =	vld [tilespmem:s20+$0xFFFFFFD0];
	v15 =	vpop (erf)  }
0x68: {  	vm6 =	vmor vm9, vm6;
	vm5 =	vmor vm4, vm3;
	vm3 =	vgt.f32 v7, $0.0e+00;
	v9 =	vpop (erf)  }
0x69: {  	v13 =	vnsel vm6, $0x3F800000, v13;
	vm9 =	vlt.f32 v3, $0.0e+00;
	vm4 =	vgt.f32 v8, $0.0e+00;
	v12 =	vld [tilespmem:s20+$0xFFFFFFC0];
	v11 =	vpop (erf)  }
0x6a: {  	vm3 =	vmor vm3, vm14;
	v16 =	vnsel vm11, $0x0, v9;
	(erf) = vrcp.f32 v13;
	v10 =	vpop (erf)  }
.Ltmp4:
0x6b: {  	vm11 =	vgt.f32 v0, $0.0e+00;
	v14 =	vnsel vm3, $0x3F800000, v7;
	v7 =	vnsel vm1, $0x0, v10;
	v13 =	vld [tilespmem:s20+$0xFFFFFFF0];
	(pc) =	sbr.rel @p2 .LBB2_11-.Ltmp4, $4  }
0x6c: {  	vm14 =	vlt.f32 v8, $0.0e+00;
	(erf) = vrcp.f32 v14;
	v6 =	vmul.f32 v16, v6;
	v10 =	vld [tilespmem:s20+$0x0];
	v9 =	vpop (erf)  }
0x6d: {  	vm4 =	vmor vm4, vm14;
	vm1 =	vmor vm11, vm13;
	v14 =	vnsel vm10, $0x0, v11;
	v11 =	vld [tilespmem:s20+$0xFFFFFFE0]  }
0x6e: {  	vm7 =	vmor vm12, vm7;
	v16 =	vnsel vm4, $0x3F800000, v8;
	v14 =	vmul.f32 v14, v12;
	[tilespmem:s19+$0xFFFFFFD0] =	vst v6;
	v8 =	vld [tilespmem:s20+$0x30];
	s20 =	smov.u32 s21  }
0x6f: {  	s24 =	sadd.s32 $0x100, s24;
	v15 =	vnsel vm8, $0x0, v15;
	v12 =	vnsel vm7, $0x3F800000, v17;
	v6 =	vld [tilespmem:s21+$0x10];
	(erf) = vrcp.f32 v16  }
0x70: {  	vm8 =	vgt.f32 v3, $0.0e+00;
	v1 =	vnsel vm5, $0x3F800000, v1  }
0x71: {  	vm8 =	vmor vm8, vm9;
	(erf) = vrcp.f32 v1  }
0x72: {  	v35 =	vnsel vm8, $0x3F800000, v3;
	(erf) = vrcp.f32 v4  }
0x73: {  	v0 =	vnsel vm1, $0x3F800000, v0;
	(erf) = vrcp.f32 v35  }
0x74: {  	(erf) = vrcp.f32 v0  }
0x75: {  	v36 =	vmul.f32 v5, v13;
	v37 =	vpop (erf);
	(erf) = vrcp.f32 v12  }
0x76: {  	[tilespmem:s22+$0xFFFFFFC0] =	vst v14;
	v45 =	vld [tilespmem:s20+$0xFFFFFFF0];
	v39 =	vmul.f32 v15, v10  }
0x77: {  	v41 =	vnsel vm0, $0x0, v9;
	v48 =	vld [tilespmem:s20+$0x0];
	v7 =	vmul.f32 v7, v11;
	[tilespmem:s22+$0xFFFFFFF0] =	vst v36  }
0x78: {  	v40 =	vld [tilespmem:s20+$0xFFFFFFD0];
	[tilespmem:s22+$0x0] =	vst v39;
	v1 =	vnsel vm6, $0x0, v37;
	v0 =	vmul.f32 v41, v8;
	v38 =	vpop (erf)  }
0x79: {  	v43 =	vld [tilespmem:s20+$0xFFFFFFC0];
	[tilespmem:s22+$0xFFFFFFE0] =	vst v7;
	v1 =	vmul.f32 v1, v2;
	v46 =	vnsel vm3, $0x0, v38;
	v42 =	vpop (erf)  }
0x7a: {  	s21 =	sadd.s32 $0x100, s19;
	v51 =	vld [tilespmem:s20+$0xFFFFFFE0];
	vm14 =	vmmov vm5;
	[tilespmem:s22+$0x30] =	vst v0;
	v49 =	vmul.f32 v46, v6;
	v54 =	vnsel vm4, $0x0, v42;
	v44 =	vpop (erf)  }
0x7b: {  	vm13 =	vmmov vm2;
	v53 =	vld [tilespmem:s20+$0x30];
	[tilespmem:s21+$0x20] =	vst v1;
	v58 =	vmul.f32 v54, v45;
	v47 =	vpop (erf);
	v57 =	vnsel vm14, $0x0, v44  }
0x7c: {  	[tilespmem:s21+$0x10] =	vst v49;
	v50 =	vpop (erf);
	v3 =	vnsel vm13, $0x0, v47;
	v60 =	vmul.f32 v57, v48  }
0x7d: {  	[tilespmem:s21+$0xFFFFFFF0] =	vst v58;
	v52 =	vmul.f32 v3, v40;
	v2 =	vnsel vm8, $0x0, v50;
	v56 =	vpop (erf)  }
0x7e: {  	vm15 =	vmmov vm7;
	v55 =	vmul.f32 v2, v43;
	v2 =	vnsel vm1, $0x0, v56;
	v59 =	vpop (erf);
	[tilespmem:s21+$0x0] =	vst v60  }
0x7f: {  	s31 =	sor.u32 s5, s18;
	[tilespmem:s21+$0xFFFFFFD0] =	vst v52;
	v61 =	vmul.f32 v2, v51;
	v62 =	vnsel vm15, $0x0, v59  }
0x80: {  	s19 =	sshrl.u32 s31, $0x3;
	[tilespmem:s21+$0xFFFFFFC0] =	vst v55;
	v63 =	vmul.f32 v62, v53  }
0x81: {  	s20 =	simm.s32 $0x10000;
	s19 =	sadd.s32 s7, s19;
	[tilespmem:s21+$0xFFFFFFE0] =	vst v61  }
0x82: {  	s23 =	sadd.s32 $0x0, s19;
	s22 =	simm.s32 $0x10100;
	[tilespmem:s21+$0x30] =	vst v63;
	s21 =	simm.s32 $0x10  }
.LBB2_13:
0x83: {  	[hbm4b:s23+s4] =	stream.linear.scatter [tilespmem:s20], [sflag:$0x3], $0x80, $0x38;
	[tilespmem:$0x18000] =	vst v63  }
0x84: {  	s23 =	smov.u32 s21;
	s20 =	smov.u32 s22;
	p2 =	sne.s32 s21, $0x7F0  }
.Ltmp5:
0x85: {  	s21 =	sadd.s32 $0x10, s21;
	(pc) =	sbr.rel @p2 .LBB2_13-.Ltmp5, $2  }
0x86: {  	_ =	sdelay $0x2  }
0x87: {  	s22 =	sadd.s32 $0x100, s22;
	s23 =	sadd.s32 s23, s19  }
.Ltmp6:
0x88: {  	(pc) =	sbr.rel @!p1 .LBB2_15-.Ltmp6, $2  }
0x89: {  	_ =	sdelay $0x2  }
0x8a: {  	[hbm4b:s23+s4] =	stream.linear.scatter [tilespmem:s20], [sflag:$0x3], $0x80, $0x38;
	[tilespmem:$0x18000] =	vst v63  }
.Ltmp7:
0x8b: {  	(pc) =	sbr.rel .LBB2_21-.Ltmp7, $4  }
0x8c: {  	_ = 	snop  }
0x8d: {  	_ =	swait.ge [sflag:s13], $0x4000  }
0x8e: {  	[sflag:s13] =	ssyncset.done $0x0  }
0x8f: {  	s18 =	simm.s32 $0x4;
	[sflag:s13] =	ssyncadd.s32 $0xFFFFC000  }
.LBB2_15:
0x90: {  	s18 =	sadd.s32 s18, s10  }
0x91: {  	s18 =	sshrl.u32 s18, $0x3  }
0x92: {  	s20 =	simm.s32 $0x0;
	s19 =	sadd.s32 s1, s18  }
0x93: {  	s21 =	simm.s32 $0x10;
	s22 =	simm.s32 $0x100;
	s23 =	sadd.s32 $0x0, s19  }
.LBB2_16:
0x94: {  	[tilespmem:s20], [sflag:$0x1] =	stream.linear.gather [hbm4b:s23+s4], $0x80, $0x38;
	[tilespmem:$0x18000] =	vst v63  }
0x95: {  	s23 =	smov.u32 s21;
	s20 =	smov.u32 s22;
	p1 =	sne.s32 s21, $0x7F0  }
.Ltmp8:
0x96: {  	s21 =	sadd.s32 $0x10, s21;
	(pc) =	sbr.rel @p1 .LBB2_16-.Ltmp8, $2  }
0x97: {  	_ =	sdelay $0x2  }
0x98: {  	s22 =	sadd.s32 $0x100, s22;
	s23 =	sadd.s32 s23, s19  }
0x99: {  	[tilespmem:s20], [sflag:$0x1] =	stream.linear.gather [hbm4b:s23+s4], $0x80, $0x38;
	[tilespmem:$0x18000] =	vst v63  }
0x9a: {  	s18 =	sadd.s32 s3, s18;
	s19 =	simm.s32 $0x0;
	s20 =	simm.s32 $0x8000  }
.LBB2_18:
0x9b: {  	p1 =	seq.s32 s19, $0x7F0  }
.Ltmp9:
0x9c: {  	_ = 	snop;
	(pc) =	sbr.rel @!p1 .LBB2_18-.Ltmp9, $4  }
0x9d: {  	_ = 	snop  }
0x9e: {  	s21 =	sadd.s32 s19, s18  }
0x9f: {  	[tilespmem:s20], [sflag:$0x1] =	stream.linear.gather [hbm4b:s21+s4], $0x80, $0x38;
	[tilespmem:$0x18000] =	vst v63  }
0xa0: {  	s19 =	sadd.s32 $0x10, s19;
	s20 =	sadd.s32 $0x100, s20  }
0xa1: {  	s18 =	simm.s32 $0x2  }
.LBB2_21:
0xa2: {  	_ =	swait.ge [sflag:s13], $0x4000  }
0xa3: {  	[sflag:s13] =	ssyncset.done $0x0  }
0xa4: {  	[sflag:s13] =	ssyncadd.s32 $0xFFFFC000  }
0xa5: {  	_ =	swait.ge [sflag:s18], $0x4000  }
0xa6: {  	[sflag:s18] =	ssyncset.done $0x0  }
0xa7: {  	s30 =	simm.s32 $0x80F0;
	[sflag:s18] =	ssyncadd.s32 $0xFFFFC000  }
0xa8: {  	v0 =	vld [tilespmem:s30+$0xFFFFFFA0]  }
0xa9: {  	v1 =	vld [tilespmem:s30+$0xFFFFFFF0]  }
0xaa: {  	v3 =	vld [tilespmem:s30+$0x0]  }
0xab: {  	v5 =	vld [tilespmem:s30+$0xFFFFFFC0]  }
0xac: {  	v2 =	vld [tilespmem:s30+$0xFFFFFFE0]  }
0xad: {  	s31 =	simm.s32 $0x81F0;
	v6 =	vld [tilespmem:s30+$0xFFFFFFB0]  }
0xae: {  	v8 =	vld [tilespmem:s31+$0xFFFFFFF0]  }
0xaf: {  	v13 =	vld [tilespmem:s31+$0xFFFFFFB0];
	vm0 =	vlt.f32 v0, $0.0e+00;
	vm1 =	vgt.f32 v0, $0.0e+00;
	vm2 =	vlt.f32 v1, $0.0e+00  }
0xb0: {  	v9 =	vld [tilespmem:s31+$0xFFFFFFE0];
	vm3 =	vgt.f32 v1, $0.0e+00;
	vm4 =	vlt.f32 v3, $0.0e+00;
	vm6 =	vlt.f32 v5, $0.0e+00  }
0xb1: {  	vm7 =	vgt.f32 v3, $0.0e+00;
	vm5 =	vmor vm1, vm0;
	vm0 =	vmor vm3, vm2  }
0xb2: {  	v4 =	vld [tilespmem:s30+$0xFFFFFFD0];
	vm1 =	vgt.f32 v2, $0.0e+00;
	vm2 =	vlt.f32 v2, $0.0e+00;
	v1 =	vnsel vm0, $0x3F800000, v1  }
0xb3: {  	vm8 =	vlt.f32 v6, $0.0e+00;
	vm2 =	vmor vm1, vm2;
	(erf) = vrcp.f32 v1  }
0xb4: {  	vm9 =	vgt.f32 v6, $0.0e+00;
	vm11 =	vlt.f32 v13, $0.0e+00;
	v1 =	vnsel vm2, $0x3F800000, v2  }
0xb5: {  	vm12 =	vgt.f32 v9, $0.0e+00;
	vm13 =	vgt.f32 v8, $0.0e+00;
	v2 =	vld [tilespmem:s30+$0xFFFFFF90];
	(erf) = vrcp.f32 v1  }
0xb6: {  	vm3 =	vgt.f32 v5, $0.0e+00;
	vm7 =	vmor vm7, vm4;
	v0 =	vnsel vm5, $0x3F800000, v0  }
0xb7: {  	s19 =	simm.s32 $0xF0;
	v10 =	vld [tilespmem:s31+$0x0];
	vm1 =	vlt.f32 v4, $0.0e+00;
	vm3 =	vmor vm3, vm6;
	vm6 =	vgt.f32 v4, $0.0e+00  }
0xb8: {  	v5 =	vnsel vm3, $0x3F800000, v5;
	vm6 =	vmor vm6, vm1;
	vm1 =	vmor vm9, vm8;
	v1 =	vld [tilespmem:s19+$0xFFFFFFF0]  }
0xb9: {  	v4 =	vnsel vm6, $0x3F800000, v4;
	(erf) = vrcp.f32 v5;
	v5 =	vnsel vm1, $0x3F800000, v6;
	v6 =	vld [tilespmem:s31+$0xFFFFFFA0]  }
0xba: {  	(erf) = vrcp.f32 v4;
	vm4 =	vgt.f32 v2, $0.0e+00;
	vm8 =	vlt.f32 v2, $0.0e+00  }
0xbb: {  	v3 =	vnsel vm7, $0x3F800000, v3;
	(erf) = vrcp.f32 v0;
	vm4 =	vmor vm4, vm8  }
0xbc: {  	vm10 =	vmmov vm5;
	v0 =	vld [tilespmem:s31+$0xFFFFFFD0];
	(erf) = vrcp.f32 v5;
	v2 =	vnsel vm4, $0x3F800000, v2;
	v4 =	vpop (erf)  }
0xbd: {  	v7 =	vld [tilespmem:s19+$0xFFFFFFE0];
	vm9 =	vgt.f32 v10, $0.0e+00;
	(erf) = vrcp.f32 v2;
	v4 =	vnsel vm0, $0x0, v4  }
0xbe: {  	vm8 =	vmmov vm6;
	vm5 =	vlt.f32 v6, $0.0e+00;
	v12 =	vmul.f32 v4, v1;
	v1 =	vpop (erf)  }
0xbf: {  	vm0 =	vmmov vm7;
	vm7 =	vlt.f32 v10, $0.0e+00;
	v1 =	vnsel vm2, $0x0, v1  }
0xc0: {  	v14 =	vld [tilespmem:s31+$0xFFFFFFC0];
	vm6 =	vgt.f32 v6, $0.0e+00;
	(erf) = vrcp.f32 v3;
	vm7 =	vmor vm9, vm7  }
0xc1: {  	vm2 =	vmor vm6, vm5;
	vm5 =	vlt.f32 v0, $0.0e+00;
	vm6 =	vlt.f32 v8, $0.0e+00  }
0xc2: {  	v7 =	vmul.f32 v1, v7;
	v3 =	vnsel vm2, $0x3F800000, v6;
	v6 =	vld [tilespmem:s19+$0xFFFFFFA0];
	vm6 =	vmor vm13, vm6;
	v1 =	vpop (erf)  }
0xc3: {  	v16 =	vld [tilespmem:s19+$0xFFFFFF90];
	v5 =	vnsel vm6, $0x3F800000, v8;
	v4 =	vnsel vm3, $0x0, v1;
	vm3 =	vgt.f32 v0, $0.0e+00;
	v15 =	vpop (erf)  }
0xc4: {  	s18 =	simm.s32 $0x100F0;
	v2 =	vld [tilespmem:s31+$0xFFFFFF90];
	(erf) = vrcp.f32 v5;
	vm5 =	vmor vm3, vm5;
	vm3 =	vlt.f32 v9, $0.0e+00;
	v1 =	vpop (erf)  }
0xc5: {  	[tilespmem:s18+$0xFFFFFFF0] =	vst v12;
	v12 =	vld [tilespmem:s19+$0xFFFFFFB0];
	v8 =	vnsel vm10, $0x0, v1;
	v11 =	vpop (erf);
	vm3 =	vmor vm12, vm3;
	vm10 =	vgt.f32 v14, $0.0e+00  }
0xc6: {  	[tilespmem:s18+$0xFFFFFFE0] =	vst v7;
	v7 =	vld [tilespmem:s19+$0x0];
	vm12 =	vlt.f32 v14, $0.0e+00;
	v5 =	vnsel vm1, $0x0, v11;
	v17 =	vpop (erf);
	vm1 =	vgt.f32 v13, $0.0e+00  }
0xc7: {  	v9 =	vnsel vm3, $0x3F800000, v9;
	v6 =	vmul.f32 v8, v6;
	v11 =	vld [tilespmem:s19+$0xFFFFFFC0];
	v8 =	vnsel vm4, $0x0, v17  }
0xc8: {  	s20 =	simm.s32 $0x1F0;
	(erf) = vrcp.f32 v9;
	v9 =	vld [tilespmem:s19+$0xFFFFFFD0];
	vm4 =	vmor vm10, vm12;
	v16 =	vmul.f32 v8, v16  }
0xc9: {  	s22 =	simm.s32 $0x80;
	v10 =	vnsel vm7, $0x3F800000, v10;
	v1 =	vld [tilespmem:s20+$0xFFFFFFF0];
	vm1 =	vmor vm1, vm11;
	[tilespmem:s18+$0xFFFFFFA0] =	vst v6;
	v14 =	vnsel vm4, $0x3F800000, v14  }
0xca: {  	s23 =	simm.s32 $0x82F0;
	s21 =	simm.s32 $0x100F0;
	s19 =	simm.s32 $0x1F0;
	v13 =	vnsel vm1, $0x3F800000, v13;
	v6 =	vld [tilespmem:s20+$0xFFFFFFE0];
	v8 =	vpop (erf);
	(erf) = vrcp.f32 v14;
	[tilespmem:s18+$0xFFFFFF90] =	vst v16;
	v14 =	vnsel vm8, $0x0, v15  }
.LBB2_22:
0xcb: {  	vm9 =	vgt.f32 v2, $0.0e+00;
	v0 =	vnsel vm5, $0x3F800000, v0  }
0xcc: {  	v15 =	vld [tilespmem:s23+$0xFFFFFFA0];
	s22 =	sadd.s32 $0x80, s22;
	v17 =	vmul.f32 v4, v11;
	s18 =	sadd.s32 $0x100, s18;
	vm10 =	vmmov vm2;
	vm8 =	vmmov vm5  }
0xcd: {  	vm2 =	vlt.f32 v2, $0.0e+00;
	v16 =	vld [tilespmem:s23+$0x0];
	p1 =	slt.u32 s22, $0x3F80;
	(erf) = vrcp.f32 v0;
	v9 =	vmul.f32 v14, v9  }
0xce: {  	vm9 =	vmor vm9, vm2;
	v11 =	vld [tilespmem:s23+$0xFFFFFFF0];
	(erf) = vrcp.f32 v3;
	v3 =	vmul.f32 v5, v12;
	[tilespmem:s21+$0xFFFFFFC0] =	vst v17  }
0xcf: {  	v2 =	vnsel vm9, $0x3F800000, v2;
	v5 =	vnsel vm0, $0x0, v8;
	v0 =	vld [tilespmem:s23+$0xFFFFFFD0];
	(erf) = vrcp.f32 v13;
	v4 =	vpop (erf);
	[tilespmem:s21+$0xFFFFFFD0] =	vst v9  }
0xd0: {  	v13 =	vld [tilespmem:s23+$0xFFFFFFB0];
	v8 =	vnsel vm6, $0x0, v4;
	(erf) = vrcp.f32 v2;
	[tilespmem:s21+$0xFFFFFFB0] =	vst v3;
	v3 =	vmul.f32 v5, v7  }
0xd1: {  	vm0 =	vmmov vm7;
	vm2 =	vlt.f32 v15, $0.0e+00;
	v7 =	vld [tilespmem:s23+$0xFFFFFFE0];
	v1 =	vmul.f32 v8, v1;
	v4 =	vpop (erf)  }
0xd2: {  	vm5 =	vgt.f32 v15, $0.0e+00;
	v2 =	vld [tilespmem:s23+$0xFFFFFF90];
	v8 =	vnsel vm3, $0x0, v4;
	(erf) = vrcp.f32 v10;
	[tilespmem:s21+$0x0] =	vst v3;
	s21 =	smov.u32 s18  }
0xd3: {  	s20 =	sadd.s32 $0x100, s20;
	vm2 =	vmor vm5, vm2;
	vm7 =	vlt.f32 v16, $0.0e+00;
	v10 =	vld [tilespmem:s23+$0xFFFFFFC0];
	v5 =	vmul.f32 v8, v6;
	[tilespmem:s18+$0xFFFFFFF0] =	vst v1  }
0xd4: {  	vm11 =	vgt.f32 v16, $0.0e+00;
	v3 =	vnsel vm2, $0x3F800000, v15;
	vm3 =	vlt.f32 v0, $0.0e+00;
	v1 =	vld [tilespmem:s20+$0xFFFFFFF0];
	v4 =	vpop (erf)  }
0xd5: {  	vm6 =	vlt.f32 v11, $0.0e+00;
	vm12 =	vlt.f32 v13, $0.0e+00;
	v6 =	vld [tilespmem:s19+$0xFFFFFFA0];
	v4 =	vnsel vm4, $0x0, v4;
	[tilespmem:s18+$0xFFFFFFE0] =	vst v5  }
0xd6: {  	vm14 =	vgt.f32 v11, $0.0e+00;
	vm4 =	vgt.f32 v0, $0.0e+00;
	vm13 =	vgt.f32 v7, $0.0e+00;
	v14 =	vpop (erf)  }
0xd7: {  	vm6 =	vmor vm14, vm6;
	vm5 =	vmor vm4, vm3;
	vm3 =	vlt.f32 v7, $0.0e+00;
	v12 =	vld [tilespmem:s19+$0xFFFFFF90];
	v5 =	vpop (erf)  }
0xd8: {  	v11 =	vnsel vm6, $0x3F800000, v11;
	vm4 =	vgt.f32 v10, $0.0e+00;
	v9 =	vnsel vm10, $0x0, v5;
	v5 =	vpop (erf)  }
0xd9: {  	vm3 =	vmor vm13, vm3;
	(erf) = vrcp.f32 v11;
	v5 =	vnsel vm1, $0x0, v5;
	v8 =	vpop (erf)  }
.Ltmp10:
0xda: {  	v7 =	vnsel vm3, $0x3F800000, v7;
	vm1 =	vgt.f32 v13, $0.0e+00;
	v6 =	vmul.f32 v9, v6;
	v11 =	vld [tilespmem:s19+$0xFFFFFFC0];
	(pc) =	sbr.rel @p1 .LBB2_22-.Ltmp10, $4  }
0xdb: {  	vm10 =	vlt.f32 v10, $0.0e+00;
	(erf) = vrcp.f32 v7;
	v7 =	vnsel vm9, $0x0, v8;
	v9 =	vld [tilespmem:s19+$0xFFFFFFD0];
	v8 =	vpop (erf)  }
0xdc: {  	vm4 =	vmor vm4, vm10;
	vm1 =	vmor vm1, vm12;
	v15 =	vmul.f32 v7, v12;
	[tilespmem:s18+$0xFFFFFFA0] =	vst v6;
	v12 =	vld [tilespmem:s19+$0xFFFFFFB0]  }
0xdd: {  	vm7 =	vmor vm11, vm7;
	v17 =	vnsel vm4, $0x3F800000, v10;
	v13 =	vnsel vm1, $0x3F800000, v13;
	v7 =	vld [tilespmem:s19+$0x0];
	s19 =	smov.u32 s20  }
0xde: {  	s23 =	sadd.s32 $0x100, s23;
	v14 =	vnsel vm8, $0x0, v14;
	v10 =	vnsel vm7, $0x3F800000, v16;
	v6 =	vld [tilespmem:s20+$0xFFFFFFE0];
	(erf) = vrcp.f32 v17;
	[tilespmem:s18+$0xFFFFFF90] =	vst v15  }
0xdf: {  	v0 =	vnsel vm5, $0x3F800000, v0  }
0xe0: {  	vm8 =	vgt.f32 v2, $0.0e+00;
	vm9 =	vlt.f32 v2, $0.0e+00;
	(erf) = vrcp.f32 v0  }
0xe1: {  	vm8 =	vmor vm8, vm9;
	(erf) = vrcp.f32 v3  }
0xe2: {  	v36 =	vnsel vm8, $0x3F800000, v2;
	(erf) = vrcp.f32 v13  }
0xe3: {  	(erf) = vrcp.f32 v36  }
0xe4: {  	v38 =	vmul.f32 v4, v11;
	v37 =	vpop (erf);
	(erf) = vrcp.f32 v10  }
0xe5: {  	v47 =	vld [tilespmem:s19+$0xFFFFFFC0];
	v40 =	vmul.f32 v14, v9  }
0xe6: {  	v43 =	vnsel vm0, $0x0, v8;
	v50 =	vld [tilespmem:s19+$0xFFFFFFD0];
	v5 =	vmul.f32 v5, v12;
	[tilespmem:s21+$0xFFFFFFC0] =	vst v38  }
0xe7: {  	v42 =	vld [tilespmem:s19+$0xFFFFFFA0];
	[tilespmem:s21+$0xFFFFFFD0] =	vst v40;
	v2 =	vmul.f32 v43, v7;
	v0 =	vnsel vm6, $0x0, v37;
	v39 =	vpop (erf)  }
0xe8: {  	v53 =	vld [tilespmem:s19+$0xFFFFFFB0];
	[tilespmem:s21+$0xFFFFFFB0] =	vst v5;
	v0 =	vmul.f32 v0, v1;
	v48 =	vnsel vm3, $0x0, v39;
	v41 =	vpop (erf)  }
0xe9: {  	v45 =	vld [tilespmem:s19+$0xFFFFFF90];
	s20 =	sadd.s32 $0x100, s18;
	vm14 =	vmmov vm5;
	[tilespmem:s21+$0x0] =	vst v2;
	v1 =	vmul.f32 v48, v6;
	v9 =	vnsel vm4, $0x0, v41;
	v44 =	vpop (erf)  }
0xea: {  	vm13 =	vmmov vm2;
	v56 =	vld [tilespmem:s19+$0x0];
	[tilespmem:s20+$0xFFFFFFF0] =	vst v0;
	v59 =	vmul.f32 v9, v47;
	v46 =	vpop (erf);
	v58 =	vnsel vm14, $0x0, v44  }
0xeb: {  	[tilespmem:s20+$0xFFFFFFE0] =	vst v1;
	v49 =	vpop (erf);
	v51 =	vnsel vm13, $0x0, v46;
	v0 =	vmul.f32 v58, v50  }
0xec: {  	[tilespmem:s20+$0xFFFFFFC0] =	vst v59;
	v52 =	vpop (erf);
	v54 =	vmul.f32 v51, v42;
	v3 =	vnsel vm1, $0x0, v49  }
0xed: {  	vm15 =	vmmov vm7;
	v55 =	vnsel vm8, $0x0, v52;
	v60 =	vpop (erf);
	v61 =	vmul.f32 v3, v53;
	[tilespmem:s20+$0xFFFFFFD0] =	vst v0  }
0xee: {  	s17 =	sor.u32 s5, s17;
	v57 =	vmul.f32 v55, v45;
	[tilespmem:s20+$0xFFFFFFA0] =	vst v54;
	v62 =	vnsel vm15, $0x0, v60  }
0xef: {  	s17 =	sshrl.u32 s17, $0x3;
	v63 =	vmul.f32 v62, v56;
	[tilespmem:s20+$0xFFFFFFB0] =	vst v61  }
0xf0: {  	s18 =	simm.s32 $0x10080;
	s17 =	sadd.s32 s7, s17;
	[tilespmem:s20+$0xFFFFFF90] =	vst v57  }
0xf1: {  	s19 =	simm.s32 $0x10;
	s21 =	sadd.s32 $0x0, s17;
	[tilespmem:s20+$0x0] =	vst v63;
	s20 =	simm.s32 $0x10180  }
.LBB2_24:
0xf2: {  	[hbm4b:s21+s4] =	stream.linear.scatter [tilespmem:s18], [sflag:$0x4], $0x80, $0x38;
	[tilespmem:$0x18000] =	vst v63  }
0xf3: {  	s21 =	smov.u32 s19;
	s18 =	smov.u32 s20;
	p1 =	sne.s32 s19, $0x7F0  }
.Ltmp11:
0xf4: {  	s19 =	sadd.s32 $0x10, s19;
	(pc) =	sbr.rel @p1 .LBB2_24-.Ltmp11, $2  }
0xf5: {  	_ =	sdelay $0x2  }
0xf6: {  	s20 =	sadd.s32 $0x100, s20;
	s21 =	sadd.s32 s21, s17  }
.Ltmp12:
0xf7: {  	(pc) =	sbr.rel @p0 .LBB2_6-.Ltmp12, $3  }
0xf8: {  	_ =	sdelay $0x1  }
0xf9: {  	[hbm4b:s21+s4] =	stream.linear.scatter [tilespmem:s18], [sflag:$0x4], $0x80, $0x38;
	[tilespmem:$0x18000] =	vst v63  }
0xfa: {  	s18 =	simm.s32 $0x8000;
	p2 =	por $0x0, $0x0;
	p1 =	por $0x1, $0x1  }
0xfb: {  	s16 =	sadd.s32 $0x1, s16  }
0xfc: {  	_ =	swait.ge [sflag:s14], $0x4000;
	p0 =	sne.s32 s16, s11  }
.Ltmp13:
0xfd: {  	[sflag:s14] =	ssyncset.done $0x0;
	(pc) =	sbr.rel @p0 .LBB2_1-.Ltmp13, $4  }
0xfe: {  	[sflag:s14] =	ssyncadd.s32 $0xFFFFC000  }
0xff: {  	_ =	swait.ge [sflag:s15], $0x4000  }
0x100: {  	[sflag:s15] =	ssyncset.done $0x0  }
0x101: {  	[sflag:s15] =	ssyncadd.s32 $0xFFFFC000  }
0x102: {  	_ =	sfence.sel $0x180000  }
0x103: {  	[bflag:$0x0] =	sbarrier.arrive $0xFFFF  }
0x104: {  	p0 =	sne.s32 s2, $0x0;
	_ =	strace $0x90000047  }
0x105: {  	s0 =	sadd.s32 @!p0 $0x100000, s0;
	[bflag:$0x2] =	sbarrier.arrive $0xFFFF  }
0x106: {  	[sflag:s0] =	ssyncadd.tile.s32 @!p0 $0x1;
	_ =	shalt  }
.Lfunc_end2:
_tile_overlayer_lowered:
.L_overlay_start_2:
0x107: {  	(tag) =	ssettag $0x2  }
0x108: {  	s0 =	rddreg [dreg:$0x0];
	s2 =	stileid.u32  }
0x109: {  	s1 =	rddreg [dreg:$0x1];
	p0 =	sne.s32 s2, $0x0  }
0x10a: {  	s3 =	rddreg [dreg:$0x2];
	[bflag:$0x3] =	sbarrier.arrive $0xFFFF;
	s2 =	simm.s32 @!p0 $0x1C05  }
0x10b: {  	[timem:s3], [sflag:s2] =	dma.local @!p0 [hbm:s0], s1  }
0x10c: {  	s0 =	simm.s32 @!p0 $0x5  }
0x10d: {  	_ =	swait.ge @!p0 [sflag:s0], s1  }
0x10e: {  	s1 =	ssub.s32 @!p0 $0x0, s1;
	[sflag:s0] =	ssyncset.done @!p0 $0x0  }
0x10f: {  	[sflag:s0] =	ssyncadd.s32 @!p0 s1  }
0x110: {  	[bflag:$0x3] =	sbarrier.arrive $0xFFFF  }
0x111: {  	_ =	shalt  }

</sc_bundles>
